<compile_context>
chip_gen: v7x
topology: tpu7x:2x2x1
jax: 0.10.2.dev20260603
libtpu: 0.0.44.dev20260713+nightly
codegen_flags: <defaults>
</compile_context>

<pallas_src>
import functools

import jax
import jax.numpy as jnp
from jax import lax
from jax.experimental import pallas as pl
from jax.experimental.pallas import tpu as pltpu
from jax.experimental.pallas import tpu_sc as plsc

_NUM_WORKERS = 32
_CHUNKS = (64, 56, 64, 56, 16)


def _emb_kernel_body(rows_per_worker, seq, x_hbm, table_hbm, out_hbm,
                     idx_v, rows0, rows1, sem0, sem1):
    wid = lax.axis_index("s") * 2 + lax.axis_index("c")
    base = wid * rows_per_worker
    w_per_row = seq // rows_per_worker
    pltpu.sync_copy(
        x_hbm.at[wid // w_per_row,
                 pl.ds((wid % w_per_row) * rows_per_worker, rows_per_worker)],
        idx_v)

    bufs = (rows0, rows1)
    sems = (sem0, sem1)
    offs = [0]
    for ch in _CHUNKS[:-1]:
        offs.append(offs[-1] + ch)

    def gather(c):
        b = c % 2
        return pltpu.async_copy(
            table_hbm.at[idx_v.at[pl.ds(offs[c], _CHUNKS[c])]],
            bufs[b].at[pl.ds(0, _CHUNKS[c])], sems[b])

    handles = [None, None]
    handles[0] = gather(0)
    for c in range(len(_CHUNKS)):
        if c + 1 < len(_CHUNKS):
            handles[(c + 1) % 2] = gather(c + 1)
        handles[c % 2].wait()
        pltpu.sync_copy(bufs[c % 2].at[pl.ds(0, _CHUNKS[c])],
                        out_hbm.at[pl.ds(base + offs[c], _CHUNKS[c])])


def kernel(x, table):
    batch, seq = x.shape
    _, d_model = table.shape
    n = batch * seq
    rows_per_worker = n // _NUM_WORKERS
    assert sum(_CHUNKS) == rows_per_worker

    mesh = plsc.VectorSubcoreMesh(core_axis_name="c", subcore_axis_name="s")
    emb = pl.kernel(
        functools.partial(_emb_kernel_body, rows_per_worker, seq),
        mesh=mesh,
        out_type=jax.ShapeDtypeStruct((n, d_model), jnp.float32),
        scratch_types=[
            pltpu.VMEM((rows_per_worker,), jnp.int32),
            pltpu.VMEM((max(_CHUNKS), d_model), jnp.float32),
            pltpu.VMEM((max(_CHUNKS[1::2]), d_model), jnp.float32),
            pltpu.SemaphoreType.DMA,
            pltpu.SemaphoreType.DMA,
        ],
    )
    out = emb(x.astype(jnp.int32), table)
    return out.reshape(batch, seq, d_model)

# --- scband reference (transcript-rebuilt; emitter-appended) ---
"""Pipeline reference for scband-input-embedding-1065151889520 (READ-ONLY COPY).

The authoritative reference and input builder live on the scoring server;
editing this copy changes nothing except your own understanding.
"""

import jax, jax.numpy as jnp
import numpy as np

VOCAB = 100000
D_MODEL = 1024
BATCH = 4
SEQ = 2048

def setup_inputs(seed: int = 0) -> dict:
    key = jax.random.key(seed)
    k_idx, k_tab = jax.random.split(key)
    x = jax.random.randint(k_idx, (BATCH, SEQ), 0, VOCAB, dtype=jnp.int64 if jax.config.jax_enable_x64 else jnp.int32)
    # nn.Embedding default init: N(0, 1)
    table = jax.random.normal(k_tab, (VOCAB, D_MODEL), dtype=jnp.float32)
    return {"x": x, "table": table}

def reference(x, table):
    # InputEmbedding.forward: self.embedding(x)
    return jnp.take(table, x, axis=0)

if __name__ == "__main__":
    import jax
    _d = setup_inputs()
    print(jax.jit(kernel)(*tuple(_d.values())))

</pallas_src>

<mosaic_0001>
#map = affine_map<(d0, d1) -> (0, 0)>
module attributes {stable_mosaic.version = 14 : i64} {
  func.func @_emb_kernel_body(%arg0: i32, %arg1: i32, %arg2: memref<4x2048xi32, #tpu.memory_space<hbm>>, %arg3: memref<100000x1024xf32, #tpu.memory_space<hbm>>, %arg4: memref<8192x1024xf32, #tpu.memory_space<hbm>>, %arg5: memref<256xi32, #tpu.memory_space<vmem>>, %arg6: memref<64x1024xf32, #tpu.memory_space<vmem>>, %arg7: memref<56x1024xf32, #tpu.memory_space<vmem>>, %arg8: memref<!tpu.dma_semaphore, #tpu.memory_space<semaphore_mem>>, %arg9: memref<!tpu.dma_semaphore, #tpu.memory_space<semaphore_mem>>) attributes {dimension_semantics = [#tpu.dimension_semantics<core_parallel>, #tpu.dimension_semantics<subcore_parallel>], iteration_bounds = array<i64: 2, 16>, scalar_prefetch = 0 : i64, scratch_operands = 5 : i64, tpu.core_type = #tpu.core_type<sc_vector_subcore>, window_params = [{transform_indices = #map}, {transform_indices = #map}, {transform_indices = #map}]} {
    %mul3A = arith.constant 2 : i32
    %mul3A_0 = arith.muli %arg1, %mul3A : i32
    %add3A = arith.addi %mul3A_0, %arg0 : i32
    %mul3A_1 = arith.constant 256 : i32
    %mul3A_2 = arith.muli %add3A, %mul3A_1 : i32
    %jit3A = arith.constant 8 : i32
    %div3A = arith.divsi %add3A, %jit3A : i32
    %sign3A = arith.constant 0 : i32
    %sign3A_3 = arith.cmpi sgt, %add3A, %sign3A : i32
    %sign3A_4 = arith.extui %sign3A_3 : i1 to i32
    %sign3A_5 = arith.constant 0 : i32
    %sign3A_6 = arith.cmpi slt, %add3A, %sign3A_5 : i32
    %sign3A_7 = arith.extui %sign3A_6 : i1 to i32
    %sign3A_8 = arith.subi %sign3A_4, %sign3A_7 : i32
    %sign3A_9 = arith.constant 0 : i32
    %sign3A_10 = arith.cmpi sgt, %jit3A, %sign3A_9 : i32
    %sign3A_11 = arith.extui %sign3A_10 : i1 to i32
    %sign3A_12 = arith.constant 0 : i32
    %sign3A_13 = arith.cmpi slt, %jit3A, %sign3A_12 : i32
    %sign3A_14 = arith.extui %sign3A_13 : i1 to i32
    %sign3A_15 = arith.subi %sign3A_11, %sign3A_14 : i32
    %ne3A = arith.cmpi ne, %sign3A_8, %sign3A_15 : i32
    %rem3A = arith.remsi %add3A, %jit3A : i32
    %ne3A_16 = arith.constant 0 : i32
    %ne3A_17 = arith.cmpi ne, %rem3A, %ne3A_16 : i32
    %and3A = arith.andi %ne3A, %ne3A_17 : i1
    %sub3A = arith.constant 1 : i32
    %sub3A_18 = arith.subi %div3A, %sub3A : i32
    %select_n3A = arith.select %and3A, %sub3A_18, %div3A : i32
    %jit3A_19 = arith.constant 8 : i32
    %eq3A = arith.constant 0 : i32
    %eq3A_20 = arith.cmpi eq, %jit3A_19, %eq3A : i32
    %jit3A_21 = arith.constant 1 : i32
    %select_n3A_22 = arith.select %eq3A_20, %jit3A_21, %jit3A_19 : i32
    %rem3A_23 = arith.remsi %add3A, %select_n3A_22 : i32
    %ne3A_24 = arith.constant 0 : i32
    %ne3A_25 = arith.cmpi ne, %rem3A_23, %ne3A_24 : i32
    %lt3A = arith.constant 0 : i32
    %lt3A_26 = arith.cmpi slt, %rem3A_23, %lt3A : i32
    %lt3A_27 = arith.constant 0 : i32
    %lt3A_28 = arith.cmpi slt, %select_n3A_22, %lt3A_27 : i32
    %ne3A_29 = arith.xori %lt3A_26, %lt3A_28 : i1
    %and3A_30 = arith.andi %ne3A_29, %ne3A_25 : i1
    %add3A_31 = arith.addi %rem3A_23, %select_n3A_22 : i32
    %select_n3A_32 = arith.select %and3A_30, %add3A_31, %rem3A_23 : i32
    %mul3A_33 = arith.constant 256 : i32
    %mul3A_34 = arith.muli %select_n3A_32, %mul3A_33 : i32
    "tpu.region"() ({
      %run_scoped3A = tpu.sem_alloc : memref<!tpu.dma_semaphore, #tpu.memory_space<semaphore_mem>>
      %dma_start3A_123 = tpu.memref_slice %arg2[%select_n3A, %mul3A_34] : memref<4x2048xi32, #tpu.memory_space<hbm>> -> memref<1x256xi32, #tpu.memory_space<hbm>>
      %dma_start3A_124 = tpu.memref_squeeze %dma_start3A_123 : memref<1x256xi32, #tpu.memory_space<hbm>> -> memref<256xi32, #tpu.memory_space<hbm>>
      %dma_start3A_125 = tpu.memref_slice %arg2[%select_n3A, %mul3A_34] : memref<4x2048xi32, #tpu.memory_space<hbm>> -> memref<1x256xi32, #tpu.memory_space<hbm>>
      %dma_start3A_126 = tpu.memref_squeeze %dma_start3A_125 : memref<1x256xi32, #tpu.memory_space<hbm>> -> memref<256xi32, #tpu.memory_space<hbm>>
      tpu.enqueue_dma source(%dma_start3A_126 : memref<256xi32, #tpu.memory_space<hbm>>) target(%arg5 : memref<256xi32, #tpu.memory_space<vmem>>) target_semaphore(%run_scoped3A : memref<!tpu.dma_semaphore, #tpu.memory_space<semaphore_mem>>)
      %dma_wait3A_127 = tpu.memref_slice %arg2[%select_n3A, %mul3A_34] : memref<4x2048xi32, #tpu.memory_space<hbm>> -> memref<1x256xi32, #tpu.memory_space<hbm>>
      %dma_wait3A_128 = tpu.memref_squeeze %dma_wait3A_127 : memref<1x256xi32, #tpu.memory_space<hbm>> -> memref<256xi32, #tpu.memory_space<hbm>>
      %dma_wait3A_129 = tpu.memref_slice %arg2[%select_n3A, %mul3A_34] : memref<4x2048xi32, #tpu.memory_space<hbm>> -> memref<1x256xi32, #tpu.memory_space<hbm>>
      %dma_wait3A_130 = tpu.memref_squeeze %dma_wait3A_129 : memref<1x256xi32, #tpu.memory_space<hbm>> -> memref<256xi32, #tpu.memory_space<hbm>>
      tpu.wait_dma2 semaphore(%run_scoped3A : memref<!tpu.dma_semaphore, #tpu.memory_space<semaphore_mem>>) src(%dma_wait3A_130 : memref<256xi32, #tpu.memory_space<hbm>>) dst(%arg5 : memref<256xi32, #tpu.memory_space<vmem>>)
      tpu.yield
    }) : () -> ()
    %dma_start3A = arith.constant 0 : i32
    %dma_start3A_35 = arith.constant 0 : i32
    %dma_start3A_36 = tpu.memref_slice %arg6[%dma_start3A, %dma_start3A_35] : memref<64x1024xf32, #tpu.memory_space<vmem>> -> memref<64x1024xf32, #tpu.memory_space<vmem>>
    %dma_start3A_37 = arith.constant 0 : i32
    %dma_start3A_38 = tpu.memref_slice %arg5[%dma_start3A_37] : memref<256xi32, #tpu.memory_space<vmem>> -> memref<64xi32, #tpu.memory_space<vmem>>
    %dma_start3A_39 = arith.constant 0 : i32
    %dma_start3A_40 = arith.constant 0 : i32
    %dma_start3A_41 = tpu.memref_slice %arg3[%dma_start3A_39, %dma_start3A_40] : memref<100000x1024xf32, #tpu.memory_space<hbm>> -> memref<100000x1024xf32, #tpu.memory_space<hbm>>
    tpu.enqueue_indirect_dma source(%dma_start3A_41 : memref<100000x1024xf32, #tpu.memory_space<hbm>>) target(%dma_start3A_36 : memref<64x1024xf32, #tpu.memory_space<vmem>>) offsets(%dma_start3A_38 : memref<64xi32, #tpu.memory_space<vmem>>) semaphore(%arg8 : memref<!tpu.dma_semaphore, #tpu.memory_space<semaphore_mem>>)
    %dma_start3A_42 = arith.constant 0 : i32
    %dma_start3A_43 = arith.constant 0 : i32
    %dma_start3A_44 = tpu.memref_slice %arg7[%dma_start3A_42, %dma_start3A_43] : memref<56x1024xf32, #tpu.memory_space<vmem>> -> memref<56x1024xf32, #tpu.memory_space<vmem>>
    %dma_start3A_45 = arith.constant 64 : i32
    %dma_start3A_46 = tpu.memref_slice %arg5[%dma_start3A_45] : memref<256xi32, #tpu.memory_space<vmem>> -> memref<56xi32, #tpu.memory_space<vmem>>
    %dma_start3A_47 = arith.constant 0 : i32
    %dma_start3A_48 = arith.constant 0 : i32
    %dma_start3A_49 = tpu.memref_slice %arg3[%dma_start3A_47, %dma_start3A_48] : memref<100000x1024xf32, #tpu.memory_space<hbm>> -> memref<100000x1024xf32, #tpu.memory_space<hbm>>
    tpu.enqueue_indirect_dma source(%dma_start3A_49 : memref<100000x1024xf32, #tpu.memory_space<hbm>>) target(%dma_start3A_44 : memref<56x1024xf32, #tpu.memory_space<vmem>>) offsets(%dma_start3A_46 : memref<56xi32, #tpu.memory_space<vmem>>) semaphore(%arg9 : memref<!tpu.dma_semaphore, #tpu.memory_space<semaphore_mem>>)
    %dma_wait3A = arith.constant 0 : i32
    %dma_wait3A_50 = arith.constant 0 : i32
    %dma_wait3A_51 = tpu.memref_slice %arg6[%dma_wait3A, %dma_wait3A_50] : memref<64x1024xf32, #tpu.memory_space<vmem>> -> memref<64x1024xf32, #tpu.memory_space<vmem>>
    %dma_wait3A_52 = arith.constant 0 : i32
    %dma_wait3A_53 = tpu.memref_slice %arg5[%dma_wait3A_52] : memref<256xi32, #tpu.memory_space<vmem>> -> memref<64xi32, #tpu.memory_space<vmem>>
    %dma_wait3A_54 = arith.constant 0 : i32
    %dma_wait3A_55 = arith.constant 0 : i32
    %dma_wait3A_56 = tpu.memref_slice %arg3[%dma_wait3A_54, %dma_wait3A_55] : memref<100000x1024xf32, #tpu.memory_space<hbm>> -> memref<100000x1024xf32, #tpu.memory_space<hbm>>
    tpu.wait_indirect_dma semaphore(%arg8 : memref<!tpu.dma_semaphore, #tpu.memory_space<semaphore_mem>>) src(%dma_wait3A_56 : memref<100000x1024xf32, #tpu.memory_space<hbm>>) dst(%dma_wait3A_51 : memref<64x1024xf32, #tpu.memory_space<vmem>>)
    %add3A_57 = arith.constant 0 : i32
    %add3A_58 = arith.addi %mul3A_2, %add3A_57 : i32
    "tpu.region"() ({
      %run_scoped3A = tpu.sem_alloc : memref<!tpu.dma_semaphore, #tpu.memory_space<semaphore_mem>>
      %dma_start3A_123 = arith.constant 0 : i32
      %dma_start3A_124 = arith.constant 0 : i32
      %dma_start3A_125 = tpu.memref_slice %arg6[%dma_start3A_123, %dma_start3A_124] : memref<64x1024xf32, #tpu.memory_space<vmem>> -> memref<64x1024xf32, #tpu.memory_space<vmem>>
      %dma_start3A_126 = arith.constant 0 : i32
      %dma_start3A_127 = tpu.memref_slice %arg4[%add3A_58, %dma_start3A_126] : memref<8192x1024xf32, #tpu.memory_space<hbm>> -> memref<64x1024xf32, #tpu.memory_space<hbm>>
      %dma_start3A_128 = arith.constant 0 : i32
      %dma_start3A_129 = tpu.memref_slice %arg4[%add3A_58, %dma_start3A_128] : memref<8192x1024xf32, #tpu.memory_space<hbm>> -> memref<64x1024xf32, #tpu.memory_space<hbm>>
      %dma_start3A_130 = arith.constant 0 : i32
      %dma_start3A_131 = arith.constant 0 : i32
      %dma_start3A_132 = tpu.memref_slice %arg6[%dma_start3A_130, %dma_start3A_131] : memref<64x1024xf32, #tpu.memory_space<vmem>> -> memref<64x1024xf32, #tpu.memory_space<vmem>>
      tpu.enqueue_dma source(%dma_start3A_132 : memref<64x1024xf32, #tpu.memory_space<vmem>>) target(%dma_start3A_129 : memref<64x1024xf32, #tpu.memory_space<hbm>>) target_semaphore(%run_scoped3A : memref<!tpu.dma_semaphore, #tpu.memory_space<semaphore_mem>>)
      %dma_wait3A_133 = arith.constant 0 : i32
      %dma_wait3A_134 = arith.constant 0 : i32
      %dma_wait3A_135 = tpu.memref_slice %arg6[%dma_wait3A_133, %dma_wait3A_134] : memref<64x1024xf32, #tpu.memory_space<vmem>> -> memref<64x1024xf32, #tpu.memory_space<vmem>>
      %dma_wait3A_136 = arith.constant 0 : i32
      %dma_wait3A_137 = tpu.memref_slice %arg4[%add3A_58, %dma_wait3A_136] : memref<8192x1024xf32, #tpu.memory_space<hbm>> -> memref<64x1024xf32, #tpu.memory_space<hbm>>
      %dma_wait3A_138 = arith.constant 0 : i32
      %dma_wait3A_139 = tpu.memref_slice %arg4[%add3A_58, %dma_wait3A_138] : memref<8192x1024xf32, #tpu.memory_space<hbm>> -> memref<64x1024xf32, #tpu.memory_space<hbm>>
      %dma_wait3A_140 = arith.constant 0 : i32
      %dma_wait3A_141 = arith.constant 0 : i32
      %dma_wait3A_142 = tpu.memref_slice %arg6[%dma_wait3A_140, %dma_wait3A_141] : memref<64x1024xf32, #tpu.memory_space<vmem>> -> memref<64x1024xf32, #tpu.memory_space<vmem>>
      tpu.wait_dma2 semaphore(%run_scoped3A : memref<!tpu.dma_semaphore, #tpu.memory_space<semaphore_mem>>) src(%dma_wait3A_142 : memref<64x1024xf32, #tpu.memory_space<vmem>>) dst(%dma_wait3A_139 : memref<64x1024xf32, #tpu.memory_space<hbm>>)
      tpu.yield
    }) : () -> ()
    %dma_start3A_59 = arith.constant 0 : i32
    %dma_start3A_60 = arith.constant 0 : i32
    %dma_start3A_61 = tpu.memref_slice %arg6[%dma_start3A_59, %dma_start3A_60] : memref<64x1024xf32, #tpu.memory_space<vmem>> -> memref<64x1024xf32, #tpu.memory_space<vmem>>
    %dma_start3A_62 = arith.constant 120 : i32
    %dma_start3A_63 = tpu.memref_slice %arg5[%dma_start3A_62] : memref<256xi32, #tpu.memory_space<vmem>> -> memref<64xi32, #tpu.memory_space<vmem>>
    %dma_start3A_64 = arith.constant 0 : i32
    %dma_start3A_65 = arith.constant 0 : i32
    %dma_start3A_66 = tpu.memref_slice %arg3[%dma_start3A_64, %dma_start3A_65] : memref<100000x1024xf32, #tpu.memory_space<hbm>> -> memref<100000x1024xf32, #tpu.memory_space<hbm>>
    tpu.enqueue_indirect_dma source(%dma_start3A_66 : memref<100000x1024xf32, #tpu.memory_space<hbm>>) target(%dma_start3A_61 : memref<64x1024xf32, #tpu.memory_space<vmem>>) offsets(%dma_start3A_63 : memref<64xi32, #tpu.memory_space<vmem>>) semaphore(%arg8 : memref<!tpu.dma_semaphore, #tpu.memory_space<semaphore_mem>>)
    %dma_wait3A_67 = arith.constant 0 : i32
    %dma_wait3A_68 = arith.constant 0 : i32
    %dma_wait3A_69 = tpu.memref_slice %arg7[%dma_wait3A_67, %dma_wait3A_68] : memref<56x1024xf32, #tpu.memory_space<vmem>> -> memref<56x1024xf32, #tpu.memory_space<vmem>>
    %dma_wait3A_70 = arith.constant 64 : i32
    %dma_wait3A_71 = tpu.memref_slice %arg5[%dma_wait3A_70] : memref<256xi32, #tpu.memory_space<vmem>> -> memref<56xi32, #tpu.memory_space<vmem>>
    %dma_wait3A_72 = arith.constant 0 : i32
    %dma_wait3A_73 = arith.constant 0 : i32
    %dma_wait3A_74 = tpu.memref_slice %arg3[%dma_wait3A_72, %dma_wait3A_73] : memref<100000x1024xf32, #tpu.memory_space<hbm>> -> memref<100000x1024xf32, #tpu.memory_space<hbm>>
    tpu.wait_indirect_dma semaphore(%arg9 : memref<!tpu.dma_semaphore, #tpu.memory_space<semaphore_mem>>) src(%dma_wait3A_74 : memref<100000x1024xf32, #tpu.memory_space<hbm>>) dst(%dma_wait3A_69 : memref<56x1024xf32, #tpu.memory_space<vmem>>)
    %add3A_75 = arith.constant 64 : i32
    %add3A_76 = arith.addi %mul3A_2, %add3A_75 : i32
    "tpu.region"() ({
      %run_scoped3A = tpu.sem_alloc : memref<!tpu.dma_semaphore, #tpu.memory_space<semaphore_mem>>
      %dma_start3A_123 = arith.constant 0 : i32
      %dma_start3A_124 = arith.constant 0 : i32
      %dma_start3A_125 = tpu.memref_slice %arg7[%dma_start3A_123, %dma_start3A_124] : memref<56x1024xf32, #tpu.memory_space<vmem>> -> memref<56x1024xf32, #tpu.memory_space<vmem>>
      %dma_start3A_126 = arith.constant 0 : i32
      %dma_start3A_127 = tpu.memref_slice %arg4[%add3A_76, %dma_start3A_126] : memref<8192x1024xf32, #tpu.memory_space<hbm>> -> memref<56x1024xf32, #tpu.memory_space<hbm>>
      %dma_start3A_128 = arith.constant 0 : i32
      %dma_start3A_129 = tpu.memref_slice %arg4[%add3A_76, %dma_start3A_128] : memref<8192x1024xf32, #tpu.memory_space<hbm>> -> memref<56x1024xf32, #tpu.memory_space<hbm>>
      %dma_start3A_130 = arith.constant 0 : i32
      %dma_start3A_131 = arith.constant 0 : i32
      %dma_start3A_132 = tpu.memref_slice %arg7[%dma_start3A_130, %dma_start3A_131] : memref<56x1024xf32, #tpu.memory_space<vmem>> -> memref<56x1024xf32, #tpu.memory_space<vmem>>
      tpu.enqueue_dma source(%dma_start3A_132 : memref<56x1024xf32, #tpu.memory_space<vmem>>) target(%dma_start3A_129 : memref<56x1024xf32, #tpu.memory_space<hbm>>) target_semaphore(%run_scoped3A : memref<!tpu.dma_semaphore, #tpu.memory_space<semaphore_mem>>)
      %dma_wait3A_133 = arith.constant 0 : i32
      %dma_wait3A_134 = arith.constant 0 : i32
      %dma_wait3A_135 = tpu.memref_slice %arg7[%dma_wait3A_133, %dma_wait3A_134] : memref<56x1024xf32, #tpu.memory_space<vmem>> -> memref<56x1024xf32, #tpu.memory_space<vmem>>
      %dma_wait3A_136 = arith.constant 0 : i32
      %dma_wait3A_137 = tpu.memref_slice %arg4[%add3A_76, %dma_wait3A_136] : memref<8192x1024xf32, #tpu.memory_space<hbm>> -> memref<56x1024xf32, #tpu.memory_space<hbm>>
      %dma_wait3A_138 = arith.constant 0 : i32
      %dma_wait3A_139 = tpu.memref_slice %arg4[%add3A_76, %dma_wait3A_138] : memref<8192x1024xf32, #tpu.memory_space<hbm>> -> memref<56x1024xf32, #tpu.memory_space<hbm>>
      %dma_wait3A_140 = arith.constant 0 : i32
      %dma_wait3A_141 = arith.constant 0 : i32
      %dma_wait3A_142 = tpu.memref_slice %arg7[%dma_wait3A_140, %dma_wait3A_141] : memref<56x1024xf32, #tpu.memory_space<vmem>> -> memref<56x1024xf32, #tpu.memory_space<vmem>>
      tpu.wait_dma2 semaphore(%run_scoped3A : memref<!tpu.dma_semaphore, #tpu.memory_space<semaphore_mem>>) src(%dma_wait3A_142 : memref<56x1024xf32, #tpu.memory_space<vmem>>) dst(%dma_wait3A_139 : memref<56x1024xf32, #tpu.memory_space<hbm>>)
      tpu.yield
    }) : () -> ()
    %dma_start3A_77 = arith.constant 0 : i32
    %dma_start3A_78 = arith.constant 0 : i32
    %dma_start3A_79 = tpu.memref_slice %arg7[%dma_start3A_77, %dma_start3A_78] : memref<56x1024xf32, #tpu.memory_space<vmem>> -> memref<56x1024xf32, #tpu.memory_space<vmem>>
    %dma_start3A_80 = arith.constant 184 : i32
    %dma_start3A_81 = tpu.memref_slice %arg5[%dma_start3A_80] : memref<256xi32, #tpu.memory_space<vmem>> -> memref<56xi32, #tpu.memory_space<vmem>>
    %dma_start3A_82 = arith.constant 0 : i32
    %dma_start3A_83 = arith.constant 0 : i32
    %dma_start3A_84 = tpu.memref_slice %arg3[%dma_start3A_82, %dma_start3A_83] : memref<100000x1024xf32, #tpu.memory_space<hbm>> -> memref<100000x1024xf32, #tpu.memory_space<hbm>>
    tpu.enqueue_indirect_dma source(%dma_start3A_84 : memref<100000x1024xf32, #tpu.memory_space<hbm>>) target(%dma_start3A_79 : memref<56x1024xf32, #tpu.memory_space<vmem>>) offsets(%dma_start3A_81 : memref<56xi32, #tpu.memory_space<vmem>>) semaphore(%arg9 : memref<!tpu.dma_semaphore, #tpu.memory_space<semaphore_mem>>)
    %dma_wait3A_85 = arith.constant 0 : i32
    %dma_wait3A_86 = arith.constant 0 : i32
    %dma_wait3A_87 = tpu.memref_slice %arg6[%dma_wait3A_85, %dma_wait3A_86] : memref<64x1024xf32, #tpu.memory_space<vmem>> -> memref<64x1024xf32, #tpu.memory_space<vmem>>
    %dma_wait3A_88 = arith.constant 120 : i32
    %dma_wait3A_89 = tpu.memref_slice %arg5[%dma_wait3A_88] : memref<256xi32, #tpu.memory_space<vmem>> -> memref<64xi32, #tpu.memory_space<vmem>>
    %dma_wait3A_90 = arith.constant 0 : i32
    %dma_wait3A_91 = arith.constant 0 : i32
    %dma_wait3A_92 = tpu.memref_slice %arg3[%dma_wait3A_90, %dma_wait3A_91] : memref<100000x1024xf32, #tpu.memory_space<hbm>> -> memref<100000x1024xf32, #tpu.memory_space<hbm>>
    tpu.wait_indirect_dma semaphore(%arg8 : memref<!tpu.dma_semaphore, #tpu.memory_space<semaphore_mem>>) src(%dma_wait3A_92 : memref<100000x1024xf32, #tpu.memory_space<hbm>>) dst(%dma_wait3A_87 : memref<64x1024xf32, #tpu.memory_space<vmem>>)
    %add3A_93 = arith.constant 120 : i32
    %add3A_94 = arith.addi %mul3A_2, %add3A_93 : i32
    "tpu.region"() ({
      %run_scoped3A = tpu.sem_alloc : memref<!tpu.dma_semaphore, #tpu.memory_space<semaphore_mem>>
      %dma_start3A_123 = arith.constant 0 : i32
      %dma_start3A_124 = arith.constant 0 : i32
      %dma_start3A_125 = tpu.memref_slice %arg6[%dma_start3A_123, %dma_start3A_124] : memref<64x1024xf32, #tpu.memory_space<vmem>> -> memref<64x1024xf32, #tpu.memory_space<vmem>>
      %dma_start3A_126 = arith.constant 0 : i32
      %dma_start3A_127 = tpu.memref_slice %arg4[%add3A_94, %dma_start3A_126] : memref<8192x1024xf32, #tpu.memory_space<hbm>> -> memref<64x1024xf32, #tpu.memory_space<hbm>>
      %dma_start3A_128 = arith.constant 0 : i32
      %dma_start3A_129 = tpu.memref_slice %arg4[%add3A_94, %dma_start3A_128] : memref<8192x1024xf32, #tpu.memory_space<hbm>> -> memref<64x1024xf32, #tpu.memory_space<hbm>>
      %dma_start3A_130 = arith.constant 0 : i32
      %dma_start3A_131 = arith.constant 0 : i32
      %dma_start3A_132 = tpu.memref_slice %arg6[%dma_start3A_130, %dma_start3A_131] : memref<64x1024xf32, #tpu.memory_space<vmem>> -> memref<64x1024xf32, #tpu.memory_space<vmem>>
      tpu.enqueue_dma source(%dma_start3A_132 : memref<64x1024xf32, #tpu.memory_space<vmem>>) target(%dma_start3A_129 : memref<64x1024xf32, #tpu.memory_space<hbm>>) target_semaphore(%run_scoped3A : memref<!tpu.dma_semaphore, #tpu.memory_space<semaphore_mem>>)
      %dma_wait3A_133 = arith.constant 0 : i32
      %dma_wait3A_134 = arith.constant 0 : i32
      %dma_wait3A_135 = tpu.memref_slice %arg6[%dma_wait3A_133, %dma_wait3A_134] : memref<64x1024xf32, #tpu.memory_space<vmem>> -> memref<64x1024xf32, #tpu.memory_space<vmem>>
      %dma_wait3A_136 = arith.constant 0 : i32
      %dma_wait3A_137 = tpu.memref_slice %arg4[%add3A_94, %dma_wait3A_136] : memref<8192x1024xf32, #tpu.memory_space<hbm>> -> memref<64x1024xf32, #tpu.memory_space<hbm>>
      %dma_wait3A_138 = arith.constant 0 : i32
      %dma_wait3A_139 = tpu.memref_slice %arg4[%add3A_94, %dma_wait3A_138] : memref<8192x1024xf32, #tpu.memory_space<hbm>> -> memref<64x1024xf32, #tpu.memory_space<hbm>>
      %dma_wait3A_140 = arith.constant 0 : i32
      %dma_wait3A_141 = arith.constant 0 : i32
      %dma_wait3A_142 = tpu.memref_slice %arg6[%dma_wait3A_140, %dma_wait3A_141] : memref<64x1024xf32, #tpu.memory_space<vmem>> -> memref<64x1024xf32, #tpu.memory_space<vmem>>
      tpu.wait_dma2 semaphore(%run_scoped3A : memref<!tpu.dma_semaphore, #tpu.memory_space<semaphore_mem>>) src(%dma_wait3A_142 : memref<64x1024xf32, #tpu.memory_space<vmem>>) dst(%dma_wait3A_139 : memref<64x1024xf32, #tpu.memory_space<hbm>>)
      tpu.yield
    }) : () -> ()
    %dma_start3A_95 = arith.constant 0 : i32
    %dma_start3A_96 = arith.constant 0 : i32
    %dma_start3A_97 = tpu.memref_slice %arg6[%dma_start3A_95, %dma_start3A_96] : memref<64x1024xf32, #tpu.memory_space<vmem>> -> memref<16x1024xf32, #tpu.memory_space<vmem>>
    %dma_start3A_98 = arith.constant 240 : i32
    %dma_start3A_99 = tpu.memref_slice %arg5[%dma_start3A_98] : memref<256xi32, #tpu.memory_space<vmem>> -> memref<16xi32, #tpu.memory_space<vmem>>
    %dma_start3A_100 = arith.constant 0 : i32
    %dma_start3A_101 = arith.constant 0 : i32
    %dma_start3A_102 = tpu.memref_slice %arg3[%dma_start3A_100, %dma_start3A_101] : memref<100000x1024xf32, #tpu.memory_space<hbm>> -> memref<100000x1024xf32, #tpu.memory_space<hbm>>
    tpu.enqueue_indirect_dma source(%dma_start3A_102 : memref<100000x1024xf32, #tpu.memory_space<hbm>>) target(%dma_start3A_97 : memref<16x1024xf32, #tpu.memory_space<vmem>>) offsets(%dma_start3A_99 : memref<16xi32, #tpu.memory_space<vmem>>) semaphore(%arg8 : memref<!tpu.dma_semaphore, #tpu.memory_space<semaphore_mem>>)
    %dma_wait3A_103 = arith.constant 0 : i32
    %dma_wait3A_104 = arith.constant 0 : i32
    %dma_wait3A_105 = tpu.memref_slice %arg7[%dma_wait3A_103, %dma_wait3A_104] : memref<56x1024xf32, #tpu.memory_space<vmem>> -> memref<56x1024xf32, #tpu.memory_space<vmem>>
    %dma_wait3A_106 = arith.constant 184 : i32
    %dma_wait3A_107 = tpu.memref_slice %arg5[%dma_wait3A_106] : memref<256xi32, #tpu.memory_space<vmem>> -> memref<56xi32, #tpu.memory_space<vmem>>
    %dma_wait3A_108 = arith.constant 0 : i32
    %dma_wait3A_109 = arith.constant 0 : i32
    %dma_wait3A_110 = tpu.memref_slice %arg3[%dma_wait3A_108, %dma_wait3A_109] : memref<100000x1024xf32, #tpu.memory_space<hbm>> -> memref<100000x1024xf32, #tpu.memory_space<hbm>>
    tpu.wait_indirect_dma semaphore(%arg9 : memref<!tpu.dma_semaphore, #tpu.memory_space<semaphore_mem>>) src(%dma_wait3A_110 : memref<100000x1024xf32, #tpu.memory_space<hbm>>) dst(%dma_wait3A_105 : memref<56x1024xf32, #tpu.memory_space<vmem>>)
    %add3A_111 = arith.constant 184 : i32
    %add3A_112 = arith.addi %mul3A_2, %add3A_111 : i32
    "tpu.region"() ({
      %run_scoped3A = tpu.sem_alloc : memref<!tpu.dma_semaphore, #tpu.memory_space<semaphore_mem>>
      %dma_start3A_123 = arith.constant 0 : i32
      %dma_start3A_124 = arith.constant 0 : i32
      %dma_start3A_125 = tpu.memref_slice %arg7[%dma_start3A_123, %dma_start3A_124] : memref<56x1024xf32, #tpu.memory_space<vmem>> -> memref<56x1024xf32, #tpu.memory_space<vmem>>
      %dma_start3A_126 = arith.constant 0 : i32
      %dma_start3A_127 = tpu.memref_slice %arg4[%add3A_112, %dma_start3A_126] : memref<8192x1024xf32, #tpu.memory_space<hbm>> -> memref<56x1024xf32, #tpu.memory_space<hbm>>
      %dma_start3A_128 = arith.constant 0 : i32
      %dma_start3A_129 = tpu.memref_slice %arg4[%add3A_112, %dma_start3A_128] : memref<8192x1024xf32, #tpu.memory_space<hbm>> -> memref<56x1024xf32, #tpu.memory_space<hbm>>
      %dma_start3A_130 = arith.constant 0 : i32
      %dma_start3A_131 = arith.constant 0 : i32
      %dma_start3A_132 = tpu.memref_slice %arg7[%dma_start3A_130, %dma_start3A_131] : memref<56x1024xf32, #tpu.memory_space<vmem>> -> memref<56x1024xf32, #tpu.memory_space<vmem>>
      tpu.enqueue_dma source(%dma_start3A_132 : memref<56x1024xf32, #tpu.memory_space<vmem>>) target(%dma_start3A_129 : memref<56x1024xf32, #tpu.memory_space<hbm>>) target_semaphore(%run_scoped3A : memref<!tpu.dma_semaphore, #tpu.memory_space<semaphore_mem>>)
      %dma_wait3A_133 = arith.constant 0 : i32
      %dma_wait3A_134 = arith.constant 0 : i32
      %dma_wait3A_135 = tpu.memref_slice %arg7[%dma_wait3A_133, %dma_wait3A_134] : memref<56x1024xf32, #tpu.memory_space<vmem>> -> memref<56x1024xf32, #tpu.memory_space<vmem>>
      %dma_wait3A_136 = arith.constant 0 : i32
      %dma_wait3A_137 = tpu.memref_slice %arg4[%add3A_112, %dma_wait3A_136] : memref<8192x1024xf32, #tpu.memory_space<hbm>> -> memref<56x1024xf32, #tpu.memory_space<hbm>>
      %dma_wait3A_138 = arith.constant 0 : i32
      %dma_wait3A_139 = tpu.memref_slice %arg4[%add3A_112, %dma_wait3A_138] : memref<8192x1024xf32, #tpu.memory_space<hbm>> -> memref<56x1024xf32, #tpu.memory_space<hbm>>
      %dma_wait3A_140 = arith.constant 0 : i32
      %dma_wait3A_141 = arith.constant 0 : i32
      %dma_wait3A_142 = tpu.memref_slice %arg7[%dma_wait3A_140, %dma_wait3A_141] : memref<56x1024xf32, #tpu.memory_space<vmem>> -> memref<56x1024xf32, #tpu.memory_space<vmem>>
      tpu.wait_dma2 semaphore(%run_scoped3A : memref<!tpu.dma_semaphore, #tpu.memory_space<semaphore_mem>>) src(%dma_wait3A_142 : memref<56x1024xf32, #tpu.memory_space<vmem>>) dst(%dma_wait3A_139 : memref<56x1024xf32, #tpu.memory_space<hbm>>)
      tpu.yield
    }) : () -> ()
    %dma_wait3A_113 = arith.constant 0 : i32
    %dma_wait3A_114 = arith.constant 0 : i32
    %dma_wait3A_115 = tpu.memref_slice %arg6[%dma_wait3A_113, %dma_wait3A_114] : memref<64x1024xf32, #tpu.memory_space<vmem>> -> memref<16x1024xf32, #tpu.memory_space<vmem>>
    %dma_wait3A_116 = arith.constant 240 : i32
    %dma_wait3A_117 = tpu.memref_slice %arg5[%dma_wait3A_116] : memref<256xi32, #tpu.memory_space<vmem>> -> memref<16xi32, #tpu.memory_space<vmem>>
    %dma_wait3A_118 = arith.constant 0 : i32
    %dma_wait3A_119 = arith.constant 0 : i32
    %dma_wait3A_120 = tpu.memref_slice %arg3[%dma_wait3A_118, %dma_wait3A_119] : memref<100000x1024xf32, #tpu.memory_space<hbm>> -> memref<100000x1024xf32, #tpu.memory_space<hbm>>
    tpu.wait_indirect_dma semaphore(%arg8 : memref<!tpu.dma_semaphore, #tpu.memory_space<semaphore_mem>>) src(%dma_wait3A_120 : memref<100000x1024xf32, #tpu.memory_space<hbm>>) dst(%dma_wait3A_115 : memref<16x1024xf32, #tpu.memory_space<vmem>>)
    %add3A_121 = arith.constant 240 : i32
    %add3A_122 = arith.addi %mul3A_2, %add3A_121 : i32
    "tpu.region"() ({
      %run_scoped3A = tpu.sem_alloc : memref<!tpu.dma_semaphore, #tpu.memory_space<semaphore_mem>>
      %dma_start3A_123 = arith.constant 0 : i32
      %dma_start3A_124 = arith.constant 0 : i32
      %dma_start3A_125 = tpu.memref_slice %arg6[%dma_start3A_123, %dma_start3A_124] : memref<64x1024xf32, #tpu.memory_space<vmem>> -> memref<16x1024xf32, #tpu.memory_space<vmem>>
      %dma_start3A_126 = arith.constant 0 : i32
      %dma_start3A_127 = tpu.memref_slice %arg4[%add3A_122, %dma_start3A_126] : memref<8192x1024xf32, #tpu.memory_space<hbm>> -> memref<16x1024xf32, #tpu.memory_space<hbm>>
      %dma_start3A_128 = arith.constant 0 : i32
      %dma_start3A_129 = tpu.memref_slice %arg4[%add3A_122, %dma_start3A_128] : memref<8192x1024xf32, #tpu.memory_space<hbm>> -> memref<16x1024xf32, #tpu.memory_space<hbm>>
      %dma_start3A_130 = arith.constant 0 : i32
      %dma_start3A_131 = arith.constant 0 : i32
      %dma_start3A_132 = tpu.memref_slice %arg6[%dma_start3A_130, %dma_start3A_131] : memref<64x1024xf32, #tpu.memory_space<vmem>> -> memref<16x1024xf32, #tpu.memory_space<vmem>>
      tpu.enqueue_dma source(%dma_start3A_132 : memref<16x1024xf32, #tpu.memory_space<vmem>>) target(%dma_start3A_129 : memref<16x1024xf32, #tpu.memory_space<hbm>>) target_semaphore(%run_scoped3A : memref<!tpu.dma_semaphore, #tpu.memory_space<semaphore_mem>>)
      %dma_wait3A_133 = arith.constant 0 : i32
      %dma_wait3A_134 = arith.constant 0 : i32
      %dma_wait3A_135 = tpu.memref_slice %arg6[%dma_wait3A_133, %dma_wait3A_134] : memref<64x1024xf32, #tpu.memory_space<vmem>> -> memref<16x1024xf32, #tpu.memory_space<vmem>>
      %dma_wait3A_136 = arith.constant 0 : i32
      %dma_wait3A_137 = tpu.memref_slice %arg4[%add3A_122, %dma_wait3A_136] : memref<8192x1024xf32, #tpu.memory_space<hbm>> -> memref<16x1024xf32, #tpu.memory_space<hbm>>
      %dma_wait3A_138 = arith.constant 0 : i32
      %dma_wait3A_139 = tpu.memref_slice %arg4[%add3A_122, %dma_wait3A_138] : memref<8192x1024xf32, #tpu.memory_space<hbm>> -> memref<16x1024xf32, #tpu.memory_space<hbm>>
      %dma_wait3A_140 = arith.constant 0 : i32
      %dma_wait3A_141 = arith.constant 0 : i32
      %dma_wait3A_142 = tpu.memref_slice %arg6[%dma_wait3A_140, %dma_wait3A_141] : memref<64x1024xf32, #tpu.memory_space<vmem>> -> memref<16x1024xf32, #tpu.memory_space<vmem>>
      tpu.wait_dma2 semaphore(%run_scoped3A : memref<!tpu.dma_semaphore, #tpu.memory_space<semaphore_mem>>) src(%dma_wait3A_142 : memref<16x1024xf32, #tpu.memory_space<vmem>>) dst(%dma_wait3A_139 : memref<16x1024xf32, #tpu.memory_space<hbm>>)
      tpu.yield
    }) : () -> ()
    return
  }
}

</mosaic_0001>

<sc_bundles>
// kernel: kernel.3.cloned.1.call-start
scs
__scs_entry_jumppad:
0x0: {  	(pc) =	sbr.rel $0x88, $3  }
0x1: {  	(tag) =	ssettag $0x0;
	lr =	simm.s32 $0x1  }
0x2: {  	[smem:$0x3F9F] =	sst lr;
	_ =	strace $0xD0000000  }
0x3: {  	_ = 	snop  }
0x4: {  	_ = 	snop  }
0x5: {  	_ = 	snop  }
0x6: {  	_ = 	snop  }
0x7: {  	_ = 	snop  }
__scs_overlays_trampoline_lowered:
0x8: {  	[smem:$0x3FAE] =	sst s0  }
0x9: {  	[smem:$0x3FAF] =	sst s1  }
0xa: {  	[smem:$0x3FB0] =	sst s2  }
0xb: {  	[smem:$0x3FB1] =	sst s3  }
0xc: {  	[smem:$0x3FB2] =	sst s4  }
0xd: {  	[smem:$0x3FB3] =	sst s5  }
0xe: {  	[smem:$0x3FB4] =	sst s6  }
0xf: {  	[smem:$0x3FB5] =	sst s7  }
0x10: {  	[smem:$0x3FB6] =	sst s8  }
0x11: {  	[smem:$0x3FB7] =	sst s9;
	s0 =	simm.s32 @!p0 $0x0  }
0x12: {  	s1 =	sld [smem:$0x3F9D];
	s0 =	simm.s32 @p0 $0x1  }
0x13: {  	[smem:$0x3FB8] =	sst s0;
	s0 =	simm.s32 @!p1 $0x0  }
0x14: {  	s2 =	sld [smem:$0x3F9C];
	s0 =	simm.s32 @p1 $0x1  }
0x15: {  	[smem:$0x3FB9] =	sst s0;
	s0 =	simm.s32 @!p2 $0x0  }
0x16: {  	s3 =	sld [smem:$0x3FDB];
	s0 =	simm.s32 @p2 $0x1  }
0x17: {  	s4 =	simm.s32 $0x1BF5;
	[smem:$0x3FBB] =	sst s0  }
0x18: {  	s0 =	sld [smem:$0x3F9E];
	_ =	swait.ge [sflag:s4], $0x0  }
0x19: {  	s7 =	sld [smem:$0x3F9F]  }
0x1a: {  	s8 =	sadd.s32 $0xFFFFE003, lr  }
0x1b: {  	s9 =	sadd.s32 $0xFFFFFEF7, lr;
	s5 =	simm.s32 $0xFFFFFFFF;
	p2 =	slt.u32 s8, $0xFFFFF086  }
0x1c: {  	p1 =	slt.u32 s9, $0xF7A;
	s5 =	simm.s32 @!p2 $0x0  }
0x1d: {  	s5 =	simm.s32 @p1 $0x1;
	p0 =	seq.s32 s7, s2  }
0x1e: {  	s7 =	smul.u32 @!p0 $0xF7A, s2;
	p2 =	seq.s32 @!p0 s5, $0x0  }
0x1f: {  	s9 =	smul.u32 $0xF7A, s1;
	s8 =	simm.s32 @!p0 $0x1BF5;
	p2 =	por !p2, p0  }
0x20: {  	[sflag:s8] =	ssyncset.s32 @!p0 $0xFFFFF086;
	s6 =	sadd.s32 @!p0 s3, s7;
	s7 =	simm.s32 @!p0 $0x108  }
0x21: {  	s3 =	sadd.s32 s3, s9;
	s6 =	sadd.s32 @!p0 $0x88, s6;
	s7 =	simm.s32 @p2 $0x1082  }
0x22: {  	[simem:s7], [sflag:s8] =	dma.local @!p0 [hbm:s6], $0xF7A  }
0x23: {  	s9 =	sor.u32 $0xD0000000, s2;
	s6 =	simm.s32 $0x108;
	_ =	swait.ge @!p0 [sflag:s8], $0x0  }
0x24: {  	s3 =	sadd.s32 $0x88, s3;
	s6 =	simm.s32 @!p1 $0x1082;
	[sflag:s4] =	ssyncset.s32 $0xFFFFF086  }
0x25: {  	[simem:s6], [sflag:s4] =	dma.local [hbm:s3], $0xF7A  }
0x26: {  	[smem:$0x3F9F] =	sst s1;
	(tag) =	ssettag s2;
	_ =	strace s9  }
0x27: {  	s1 =	sld [smem:$0x3FAF]  }
0x28: {  	s2 =	sld [smem:$0x3FB0]  }
0x29: {  	s4 =	sld [smem:$0x3FB2]  }
0x2a: {  	p0 =	seq.s32 s5, $0x0;
	s5 =	sld [smem:$0x3FB3]  }
0x2b: {  	s6 =	sld [smem:$0x3FB4]  }
0x2c: {  	s7 =	sld [smem:$0x3FB5]  }
0x2d: {  	s3 =	simm.s32 $0x108;
	s8 =	sld [smem:$0x3FB6]  }
0x2e: {  	s3 =	simm.s32 @!p0 $0x1082;
	s9 =	sld [smem:$0x3FB7]  }
0x2f: {  	lr =	sadd.s32 s0, s3;
	s0 =	sld [smem:$0x3FAE]  }
0x30: {  	s3 =	sld [smem:$0x3FB1]  }
0x31: {  	[smem:$0x3FBA] =	sst s10  }
0x32: {  	s10 =	sld [smem:$0x3FB8];
	_ =	sdelay $0x3  }
0x33: {  	p0 =	seq.s32 s10, $0x1;
	s10 =	sld [smem:$0x3FBA];
	_ =	sdelay $0x3  }
0x34: {  	[smem:$0x3FBA] =	sst s10  }
0x35: {  	s10 =	sld [smem:$0x3FB9];
	_ =	sdelay $0x3  }
0x36: {  	p1 =	seq.s32 s10, $0x1;
	s10 =	sld [smem:$0x3FBA];
	_ =	sdelay $0x3  }
0x37: {  	[smem:$0x3FBA] =	sst s10  }
0x38: {  	s10 =	sld [smem:$0x3FBB]  }
0x39: {  	_ = 	snop;
	(pc) =	sbr.ind lr, $3  }
0x3a: {  	_ = 	snop  }
0x3b: {  	_ = 	snop  }
0x3c: {  	p2 =	seq.s32 s10, $0x1;
	s10 =	sld [smem:$0x3FBA]  }
0x3d: {  	_ =	shalt  }
0x3e: {  	_ =	shalt  }
0x3f: {  	_ =	shalt  }
0x40: {  	_ =	shalt  }
0x41: {  	_ =	shalt  }
0x42: {  	_ =	shalt  }
0x43: {  	_ =	shalt  }
0x44: {  	_ =	shalt  }
0x45: {  	_ =	shalt  }
0x46: {  	_ =	shalt  }
0x47: {  	_ =	shalt  }
0x48: {  	_ =	shalt  }
0x49: {  	_ =	shalt  }
0x4a: {  	_ =	shalt  }
0x4b: {  	_ =	shalt  }
0x4c: {  	_ =	shalt  }
0x4d: {  	_ =	shalt  }
0x4e: {  	_ =	shalt  }
0x4f: {  	_ =	shalt  }
0x50: {  	_ =	shalt  }
0x51: {  	_ =	shalt  }
0x52: {  	_ =	shalt  }
0x53: {  	_ =	shalt  }
0x54: {  	_ =	shalt  }
0x55: {  	_ =	shalt  }
0x56: {  	_ =	shalt  }
0x57: {  	_ =	shalt  }
0x58: {  	_ =	shalt  }
0x59: {  	_ =	shalt  }
0x5a: {  	_ =	shalt  }
0x5b: {  	_ =	shalt  }
0x5c: {  	_ =	shalt  }
0x5d: {  	_ =	shalt  }
0x5e: {  	_ =	shalt  }
0x5f: {  	_ =	shalt  }
0x60: {  	_ =	shalt  }
0x61: {  	_ =	shalt  }
0x62: {  	_ =	shalt  }
0x63: {  	_ =	shalt  }
0x64: {  	_ =	shalt  }
0x65: {  	_ =	shalt  }
0x66: {  	_ =	shalt  }
0x67: {  	_ =	shalt  }
0x68: {  	_ =	shalt  }
0x69: {  	_ =	shalt  }
0x6a: {  	_ =	shalt  }
0x6b: {  	_ =	shalt  }
0x6c: {  	_ =	shalt  }
0x6d: {  	_ =	shalt  }
0x6e: {  	_ =	shalt  }
0x6f: {  	_ =	shalt  }
0x70: {  	_ =	shalt  }
0x71: {  	_ =	shalt  }
0x72: {  	_ =	shalt  }
0x73: {  	_ =	shalt  }
0x74: {  	_ =	shalt  }
0x75: {  	_ =	shalt  }
0x76: {  	_ =	shalt  }
0x77: {  	_ =	shalt  }
0x78: {  	_ =	shalt  }
0x79: {  	_ =	shalt  }
0x7a: {  	_ =	shalt  }
0x7b: {  	_ =	shalt  }
0x7c: {  	_ =	shalt  }
0x7d: {  	_ =	shalt  }
0x7e: {  	_ =	shalt  }
0x7f: {  	_ =	shalt  }
0x80: {  	_ =	shalt  }
0x81: {  	_ =	shalt  }
0x82: {  	_ =	shalt  }
0x83: {  	_ =	shalt  }
0x84: {  	_ =	shalt  }
0x85: {  	_ =	shalt  }
0x86: {  	_ =	shalt  }
0x87: {  	_ =	shalt  }
.Lfunc_end0:
.L_simem_size_0:
called_computation_lowered:
.L_overlay_start_0:
0x88: {  	s2 =	sld [smem:$0x3FD9]  }
0x89: {  	s3 =	sld [smem:$0x3FFE];
	_ =	sdelay $0x1  }
0x8a: {  	s1 =	srdreg.scid  }
0x8b: {  	s0 =	sand.u32 $0x1, s1  }
0x8c: {  	s18 =	sshll.u32 s0, $0xA;
	s2 =	sadd.s32 s3, s2  }
0x8d: {  	s2 =	sadd.s32 s2, s18  }
0x8e: {  	[smem:$0x3FC6] =	sst s2  }
0x8f: {  	_ = 	snop  }
0x90: {  	s2 =	sld [smem:$0x3FC9]  }
0x91: {  	s19 =	sld [smem:$0x3FC8]  }
0x92: {  	s4 =	sld [smem:$0x3FD0];
	(tm) =	ssettm $0x1  }
0x93: {  	s5 =	sld [smem:$0x3FFB];
	_ =	sdelay $0x3  }
0x94: {  	_ =	strace s5  }
0x95: {  	s5 =	sld [smem:$0x3FFC];
	_ =	sdelay $0x3  }
0x96: {  	_ =	strace s5  }
0x97: {  	s5 =	sld [smem:$0x3FFD];
	_ =	sdelay $0x3  }
0x98: {  	_ =	strace s5  }
0x99: {  	_ =	strace $0x8FFFFFFF  }
0x9a: {  	s20 =	sld [smem:$0x3FDB];
	_ =	sdelay $0x1  }
0x9b: {  	s6 =	simm.s32 $_scs_section_size  }
0x9c: {  	s7 =	simm.s32 $_size__tile_overlayer_lowered;
	s8 =	simm.s32 $_tile_overlayer_lowered  }
0x9d: {  	s23 =	simm.s32 $0x1BFF;
	s22 =	sshll.u32 s8, $0x1;
	s5 =	sadd.s32 s6, s20  }
0x9e: {  	s9 =	simm.s32 $0x0;
	s21 =	sshll.u32 s7, $0x1;
	s7 =	sadd.s32 s22, s5  }
0x9f: {  	[timem:s9], [sflag:s23] =	dma.local [hbm:s7], s21  }
0xa0: {  	_ =	swait.ge [sflag:s23], s21  }
0xa1: {  	s6 =	ssub.s32 $0x0, s21;
	[sflag:s23] =	ssyncset.done $0x0  }
0xa2: {  	[sflag:s23] =	ssyncadd.s32 s6;
	_ =	sdelay $0x1  }
0xa3: {  	s24 =	simm.s32 $0x1B8B  }
0xa4: {  	_ =	swait.ge [sflag:s24], $0x1  }
0xa5: {  	[sflag:s24] =	ssyncset.done $0x0  }
0xa6: {  	s25 =	simm.s32 $0x1B8E;
	[sflag:s24] =	ssyncadd.s32 $0xFFFFFFFF  }
0xa7: {  	s26 =	simm.s32 $execute0_lowered;
	[smem:$0x3FD2] =	sst s25  }
0xa8: {  	s6 =	sshll.u32 s26, $0x1;
	_ =	strace $0x80000046;
	[dreg:$0x1] =	wrdreg $0xFFFFFFFF  }
0xa9: {  	s28 =	simm.s32 $_size_execute0_lowered;
	s5 =	sadd.s32 s5, s6;
	[dreg:$0x0] =	wrdreg $0x0  }
0xaa: {  	s6 =	sshll.u32 s28, $0x1;
	[dreg:$0x2] =	wrdreg s5  }
0xab: {  	[dreg:$0x3] =	wrdreg s6  }
0xac: {  	[dreg:$0x4] =	wrdreg $0xC0  }
0xad: {  	_ =	task [dreg:s9], $0x5FFFF  }
0xae: {  	[dreg:$0x1] =	wrdreg $0xFFFFFFFF  }
0xaf: {  	[dreg:$0x0] =	wrdreg $0x60  }
0xb0: {  	[dreg:$0x2] =	wrdreg s2  }
0xb1: {  	[dreg:$0x3] =	wrdreg s19  }
0xb2: {  	[dreg:$0x4] =	wrdreg s4  }
0xb3: {  	[dreg:$0x5] =	wrdreg $0x9  }
0xb4: {  	_ =	task.clear_ibuf [dreg:s9], $0x6FFFF;
	_ =	strace $0x90000046  }
0xb5: {  	s29 =	simm.s32 $0x9;
	_ =	strace $0x80000048  }
0xb6: {  	_ =	swait.ge [sflag:s29], $0x1  }
0xb7: {  	[sflag:s29] =	ssyncadd.s32 $0xFFFFFFFF  }
0xb8: {  	_ =	strace $0x90000048  }
0xb9: {  	_ =	sfence  }
0xba: {  	s30 =	sld [smem:$0x0];
	_ =	sdelay $0x2  }
0xbb: {  	s31 =	sshll.u32 s1, $0xD;
	s1 =	sshrl.u32 s1, $0x2  }
0xbc: {  	s3 =	sand.u32 $0x4000, s31;
	s1 =	sadd.s32 s1, s30  }
0xbd: {  	s0 =	sor.u32 s3, s0;
	s1 =	sshll.u32 s1, $0x11  }
0xbe: {  	s0 =	sor.u32 s1, s0  }
0xbf: {  	s0 =	sadd.s32 $0x8F2B, s0  }
0xc0: {  	[sflag:s0] =	ssyncadd.remote.s32 $0x1  }
0xc1: {  	_ =	sfence.sel $0xFFFF  }
0xc2: {  	[dreg:$0x0] =	wrdreg $0xFFFFFFFF;
	(pc) =	sbr.abs _section_cstart, $3  }
0xc3: {  	[dreg:$0x1] =	wrdreg $0xFFFFFFFF  }
0xc4: {  	_ =	task.clear_ibuf [dreg:s9], $0x2FFFF;
	_ =	strace $0x9FFFFFFF  }
0xc5: {  	(tm) =	ssettm $0x7FFFFFFF  }
tec
execute0_lowered:
.L_overlay_start_1:
0x0: {  	(tag) =	ssettag $0x1  }
0x1: {  	s0 =	rddreg [dreg:$0x0]  }
0x2: {  	s2 =	rddreg [dreg:$0x1]  }
0x3: {  	s1 =	rddreg [dreg:$0x2]  }
0x4: {  	s3 =	srdreg.scid;
	s6 =	stileid.u32;
	s29 =	simm.s32 $0x80  }
0x5: {  	s30 =	simm.s32 $0x200;
	s9 =	simm.s32 $0x3;
	s31 =	simm.s32 $0x5100  }
0x6: {  	s18 =	simm.s32 $0x6900;
	s19 =	simm.s32 $0x7100;
	s20 =	simm.s32 $0x7900  }
0x7: {  	s21 =	simm.s32 $0x8100;
	s11 =	simm.s32 $0xA100;
	s10 =	simm.s32 $0xA900  }
0x8: {  	s12 =	simm.s32 $0xB100;
	s13 =	simm.s32 $0xB900;
	s14 =	simm.s32 $0xC100  }
0x9: {  	s15 =	simm.s32 $0xC900;
	s16 =	simm.s32 $0xD100;
	s17 =	simm.s32 $0xD900  }
0xa: {  	s28 =	simm.s32 $0xE100;
	s4 =	sand.u32 $0x1, s3;
	s5 =	sshll.u32 s6, $0x1  }
0xb: {  	s3 =	simm.s32 $0x0;
	s6 =	sshll.u32 s6, $0x2;
	s5 =	sor.u32 s4, s5  }
0xc: {  	[smem:$0x7FF] =	sst s3;
	s6 =	sand.u32 $0x30, s6;
	s23 =	ssub.s32 $0x2, s4  }
0xd: {  	s7 =	sshll.u32 s5, $0x7;
	s0 =	sadd.s32 s0, s6;
	s5 =	sshll.u32 s5, $0xF  }
0xe: {  	_ =	strace $0x80000047;
	s4 =	sshrl.u32 s23, $0x1;
	[dreg:$0x9] =	wrdreg s29  }
0xf: {  	[dreg:$0xa] =	wrdreg s30;
	s7 =	sand.u32 $0x380, s7;
	s5 =	sadd.s32 s1, s5  }
0x10: {  	s6 =	sadd.s32 $0x200, s2;
	s0 =	sadd.s32 s7, s0;
	[dreg:$0xb] =	wrdreg s5  }
0x11: {  	s1 =	ssub.s32 s23, s4;
	s22 =	sadd.s32 $0x2000, s5;
	[dreg:$0x4] =	wrdreg s0  }
0x12: {  	s23 =	simm.s32 $0x9100;
	s24 =	sadd.s32 $0x3C00, s5;
	[dreg:$0x5] =	wrdreg s22  }
0x13: {  	s25 =	sadd.s32 $0x5C00, s5;
	s26 =	sadd.s32 $0x7800, s5;
	[dreg:$0x6] =	wrdreg s24  }
0x14: {  	v2 =	vlaneseq.u32;
	s5 =	sadd.s32 $0x100, s2;
	s7 =	sadd.s32 $0x300, s2;
	[dreg:$0x7] =	wrdreg s25  }
0x15: {  	vm0 =	vmmov $0xffff;
	v1 =	vshrl.u32 v2, $0x3;
	s8 =	smax.u32 s1, $0x1;
	[dreg:$0x8] =	wrdreg s26;
	s25 =	simm.s32 $0x1  }
0x16: {  	v0 =	vand.u32 $0x7, v2;
	v2 =	vor.u32 $0x8, v2;
	v1 =	vmul.u32 $0x8, v1;
	s26 =	simm.s32 $0x100;
	s22 =	simm.s32 $0x8900;
	s24 =	simm.s32 $0x9900  }
.LBB2_1:
0x17: {  	s4 =	rddreg [dreg:$0x4]  }
0x18: {  	s29 =	rddreg [dreg:$0x9]  }
0x19: {  	s30 =	rddreg [dreg:$0xa]  }
0x1a: {  	[tilespmem:s3], [sflag:$0x3] =	stream.strided.gather [hbm4b:s4+s29], $0x100, s30, s29, $0x38;
	[tilespmem:$0x1E100] =	vst v63  }
0x1b: {  	_ =	swait.ge [sflag:s9], $0x100  }
0x1c: {  	[sflag:s9] =	ssyncset.done $0x0  }
0x1d: {  	[sflag:s9] =	ssyncadd.s32 $0xFFFFFF00  }
0x1e: {  	v3 =	vld [tilespmem:$0x0];
	_ =	sdelay $0x4  }
0x1f: {  	v4 =	vshll.u32 v3, $0x3  }
0x20: {  	v3 =	vand.u32 $0x7, v3;
	v4 =	vand.u32 $0xFFFFFFC0, v4  }
0x21: {  	v3 =	vor.u32 v3, v4  }
0x22: {  	v4 =	vperm.xlane v3, v0;
	_ =	sdelay $0x1  }
0x23: {  	v4 =	vadd.s32 v1, v4;
	_ =	sdelay $0x4  }
0x24: {  	[tilespmem:s26], [sflag:$0x1] =	stream.indirect_vreg.gather [hbm4b:s2+s3], $0x80, v4, vm0, $0xb8;
	[tilespmem:$0x1E100] =	vst v63  }
0x25: {  	s0 =	simm.s32 $0x900;
	v3 =	vperm.xlane v3, v2  }
0x26: {  	[tilespmem:s0], [sflag:$0x1] =	stream.indirect_vreg.gather [hbm4b:s5+s3], $0x80, v4, vm0, $0xb8;
	[tilespmem:$0x1E100] =	vst v63  }
0x27: {  	s29 =	simm.s32 $0x1100;
	v3 =	vadd.s32 v1, v3  }
0x28: {  	[tilespmem:s29], [sflag:$0x1] =	stream.indirect_vreg.gather [hbm4b:s6+s3], $0x80, v4, vm0, $0xb8;
	[tilespmem:$0x1E100] =	vst v63  }
0x29: {  	s30 =	simm.s32 $0x1900  }
0x2a: {  	[tilespmem:s30], [sflag:$0x1] =	stream.indirect_vreg.gather [hbm4b:s7+s3], $0x80, v4, vm0, $0xb8;
	[tilespmem:$0x1E100] =	vst v63  }
0x2b: {  	s1 =	simm.s32 $0x2100  }
0x2c: {  	[tilespmem:s1], [sflag:$0x1] =	stream.indirect_vreg.gather [hbm4b:s2+s3], $0x80, v3, vm0, $0xb8;
	[tilespmem:$0x1E100] =	vst v63  }
0x2d: {  	s4 =	simm.s32 $0x2900  }
0x2e: {  	[tilespmem:s4], [sflag:$0x1] =	stream.indirect_vreg.gather [hbm4b:s5+s3], $0x80, v3, vm0, $0xb8;
	[tilespmem:$0x1E100] =	vst v63  }
0x2f: {  	s29 =	simm.s32 $0x3100  }
0x30: {  	[tilespmem:s29], [sflag:$0x1] =	stream.indirect_vreg.gather [hbm4b:s6+s3], $0x80, v3, vm0, $0xb8;
	[tilespmem:$0x1E100] =	vst v63  }
0x31: {  	s30 =	simm.s32 $0x3900  }
0x32: {  	[tilespmem:s30], [sflag:$0x1] =	stream.indirect_vreg.gather [hbm4b:s7+s3], $0x80, v3, vm0, $0xb8;
	[tilespmem:$0x1E100] =	vst v63  }
0x33: {  	v3 =	vld [tilespmem:$0x10];
	_ =	sdelay $0x4  }
0x34: {  	v48 =	vshll.u32 v3, $0x3  }
0x35: {  	v3 =	vand.u32 $0x7, v3;
	v4 =	vand.u32 $0xFFFFFFC0, v48  }
0x36: {  	v3 =	vor.u32 v3, v4  }
0x37: {  	v4 =	vperm.xlane v3, v0;
	_ =	sdelay $0x1  }
0x38: {  	v4 =	vadd.s32 v1, v4;
	_ =	sdelay $0x3  }
0x39: {  	s29 =	simm.s32 $0x4100  }
0x3a: {  	[tilespmem:s29], [sflag:$0x1] =	stream.indirect_vreg.gather [hbm4b:s2+s3], $0x80, v4, vm0, $0xb8;
	[tilespmem:$0x1E100] =	vst v63  }
0x3b: {  	s30 =	simm.s32 $0x4900;
	v3 =	vperm.xlane v3, v2  }
0x3c: {  	[tilespmem:s30], [sflag:$0x1] =	stream.indirect_vreg.gather [hbm4b:s5+s3], $0x80, v4, vm0, $0xb8;
	[tilespmem:$0x1E100] =	vst v63  }
0x3d: {  	v3 =	vadd.s32 v1, v3  }
0x3e: {  	[tilespmem:s31], [sflag:$0x1] =	stream.indirect_vreg.gather [hbm4b:s6+s3], $0x80, v4, vm0, $0xb8;
	[tilespmem:$0x1E100] =	vst v63  }
0x3f: {  	s1 =	simm.s32 $0x5900  }
0x40: {  	[tilespmem:s1], [sflag:$0x1] =	stream.indirect_vreg.gather [hbm4b:s7+s3], $0x80, v4, vm0, $0xb8;
	[tilespmem:$0x1E100] =	vst v63  }
0x41: {  	s1 =	simm.s32 $0x6100  }
0x42: {  	[tilespmem:s1], [sflag:$0x1] =	stream.indirect_vreg.gather [hbm4b:s2+s3], $0x80, v3, vm0, $0xb8;
	[tilespmem:$0x1E100] =	vst v63  }
0x43: {  	_ = 	snop  }
0x44: {  	[tilespmem:s18], [sflag:$0x1] =	stream.indirect_vreg.gather [hbm4b:s5+s3], $0x80, v3, vm0, $0xb8;
	[tilespmem:$0x1E100] =	vst v63  }
0x45: {  	_ = 	snop  }
0x46: {  	[tilespmem:s19], [sflag:$0x1] =	stream.indirect_vreg.gather [hbm4b:s6+s3], $0x80, v3, vm0, $0xb8;
	[tilespmem:$0x1E100] =	vst v63  }
0x47: {  	_ = 	snop  }
0x48: {  	[tilespmem:s20], [sflag:$0x1] =	stream.indirect_vreg.gather [hbm4b:s7+s3], $0x80, v3, vm0, $0xb8;
	[tilespmem:$0x1E100] =	vst v63  }
0x49: {  	v3 =	vld [tilespmem:$0x20];
	_ =	sdelay $0x4  }
0x4a: {  	v49 =	vshll.u32 v3, $0x3  }
0x4b: {  	v3 =	vand.u32 $0x7, v3;
	v4 =	vand.u32 $0xFFFFFFC0, v49  }
0x4c: {  	v3 =	vor.u32 v3, v4  }
0x4d: {  	v4 =	vperm.xlane v3, v0;
	_ =	sdelay $0x1  }
0x4e: {  	v4 =	vadd.s32 v1, v4;
	_ =	sdelay $0x4  }
0x4f: {  	[tilespmem:s21], [sflag:$0x1] =	stream.indirect_vreg.gather [hbm4b:s2+s3], $0x80, v4, vm0, $0xb8;
	[tilespmem:$0x1E100] =	vst v63  }
0x50: {  	v3 =	vperm.xlane v3, v2  }
0x51: {  	[tilespmem:s22], [sflag:$0x1] =	stream.indirect_vreg.gather [hbm4b:s5+s3], $0x80, v4, vm0, $0xb8;
	[tilespmem:$0x1E100] =	vst v63  }
0x52: {  	v3 =	vadd.s32 v1, v3  }
0x53: {  	[tilespmem:s23], [sflag:$0x1] =	stream.indirect_vreg.gather [hbm4b:s6+s3], $0x80, v4, vm0, $0xb8;
	[tilespmem:$0x1E100] =	vst v63  }
0x54: {  	_ = 	snop  }
0x55: {  	[tilespmem:s24], [sflag:$0x1] =	stream.indirect_vreg.gather [hbm4b:s7+s3], $0x80, v4, vm0, $0xb8;
	[tilespmem:$0x1E100] =	vst v63  }
0x56: {  	_ = 	snop  }
0x57: {  	[tilespmem:s11], [sflag:$0x1] =	stream.indirect_vreg.gather [hbm4b:s2+s3], $0x80, v3, vm0, $0xb8;
	[tilespmem:$0x1E100] =	vst v63  }
0x58: {  	_ = 	snop  }
0x59: {  	[tilespmem:s10], [sflag:$0x1] =	stream.indirect_vreg.gather [hbm4b:s5+s3], $0x80, v3, vm0, $0xb8;
	[tilespmem:$0x1E100] =	vst v63  }
0x5a: {  	_ = 	snop  }
0x5b: {  	[tilespmem:s12], [sflag:$0x1] =	stream.indirect_vreg.gather [hbm4b:s6+s3], $0x80, v3, vm0, $0xb8;
	[tilespmem:$0x1E100] =	vst v63  }
0x5c: {  	_ = 	snop  }
0x5d: {  	[tilespmem:s13], [sflag:$0x1] =	stream.indirect_vreg.gather [hbm4b:s7+s3], $0x80, v3, vm0, $0xb8;
	[tilespmem:$0x1E100] =	vst v63  }
0x5e: {  	v3 =	vld [tilespmem:$0x30];
	_ =	sdelay $0x4  }
0x5f: {  	v50 =	vshll.u32 v3, $0x3  }
0x60: {  	v3 =	vand.u32 $0x7, v3;
	v4 =	vand.u32 $0xFFFFFFC0, v50  }
0x61: {  	v3 =	vor.u32 v3, v4  }
0x62: {  	v4 =	vperm.xlane v3, v0;
	_ =	sdelay $0x1  }
0x63: {  	v4 =	vadd.s32 v1, v4;
	_ =	sdelay $0x4  }
0x64: {  	[tilespmem:s14], [sflag:$0x1] =	stream.indirect_vreg.gather [hbm4b:s2+s3], $0x80, v4, vm0, $0xb8;
	[tilespmem:$0x1E100] =	vst v63  }
0x65: {  	v3 =	vperm.xlane v3, v2  }
0x66: {  	[tilespmem:s15], [sflag:$0x1] =	stream.indirect_vreg.gather [hbm4b:s5+s3], $0x80, v4, vm0, $0xb8;
	[tilespmem:$0x1E100] =	vst v63  }
0x67: {  	v3 =	vadd.s32 v1, v3  }
0x68: {  	[tilespmem:s16], [sflag:$0x1] =	stream.indirect_vreg.gather [hbm4b:s6+s3], $0x80, v4, vm0, $0xb8;
	[tilespmem:$0x1E100] =	vst v63  }
0x69: {  	_ = 	snop  }
0x6a: {  	[tilespmem:s17], [sflag:$0x1] =	stream.indirect_vreg.gather [hbm4b:s7+s3], $0x80, v4, vm0, $0xb8;
	[tilespmem:$0x1E100] =	vst v63  }
0x6b: {  	_ = 	snop  }
0x6c: {  	[tilespmem:s28], [sflag:$0x1] =	stream.indirect_vreg.gather [hbm4b:s2+s3], $0x80, v3, vm0, $0xb8;
	[tilespmem:$0x1E100] =	vst v63  }
0x6d: {  	s4 =	simm.s32 $0xE900  }
0x6e: {  	[tilespmem:s4], [sflag:$0x1] =	stream.indirect_vreg.gather [hbm4b:s5+s3], $0x80, v3, vm0, $0xb8;
	[tilespmem:$0x1E100] =	vst v63  }
0x6f: {  	s4 =	simm.s32 $0xF100  }
0x70: {  	[tilespmem:s4], [sflag:$0x1] =	stream.indirect_vreg.gather [hbm4b:s6+s3], $0x80, v3, vm0, $0xb8;
	[tilespmem:$0x1E100] =	vst v63  }
0x71: {  	s4 =	simm.s32 $0xF900  }
0x72: {  	[tilespmem:s4], [sflag:$0x1] =	stream.indirect_vreg.gather [hbm4b:s7+s3], $0x80, v3, vm0, $0xb8;
	[tilespmem:$0x1E100] =	vst v63  }
0x73: {  	v3 =	vld [tilespmem:$0x40];
	_ =	sdelay $0x4  }
0x74: {  	v51 =	vshll.u32 v3, $0x3  }
0x75: {  	v3 =	vand.u32 $0x7, v3;
	v4 =	vand.u32 $0xFFFFFFC0, v51  }
0x76: {  	v3 =	vor.u32 v3, v4  }
0x77: {  	v4 =	vperm.xlane v3, v0;
	_ =	sdelay $0x1  }
0x78: {  	v4 =	vadd.s32 v1, v4;
	_ =	sdelay $0x3  }
0x79: {  	s0 =	simm.s32 $0x10100  }
0x7a: {  	[tilespmem:s0], [sflag:$0x2] =	stream.indirect_vreg.gather [hbm4b:s2+s3], $0x80, v4, vm0, $0xb8;
	[tilespmem:$0x1E100] =	vst v63  }
0x7b: {  	s4 =	simm.s32 $0x10900;
	v3 =	vperm.xlane v3, v2  }
0x7c: {  	[tilespmem:s4], [sflag:$0x2] =	stream.indirect_vreg.gather [hbm4b:s5+s3], $0x80, v4, vm0, $0xb8;
	[tilespmem:$0x1E100] =	vst v63  }
0x7d: {  	v3 =	vadd.s32 v1, v3;
	s4 =	simm.s32 $0x11100  }
0x7e: {  	[tilespmem:s4], [sflag:$0x2] =	stream.indirect_vreg.gather [hbm4b:s6+s3], $0x80, v4, vm0, $0xb8;
	[tilespmem:$0x1E100] =	vst v63  }
0x7f: {  	s4 =	simm.s32 $0x11900  }
0x80: {  	[tilespmem:s4], [sflag:$0x2] =	stream.indirect_vreg.gather [hbm4b:s7+s3], $0x80, v4, vm0, $0xb8;
	[tilespmem:$0x1E100] =	vst v63  }
0x81: {  	s4 =	simm.s32 $0x12100  }
0x82: {  	[tilespmem:s4], [sflag:$0x2] =	stream.indirect_vreg.gather [hbm4b:s2+s3], $0x80, v3, vm0, $0xb8;
	[tilespmem:$0x1E100] =	vst v63  }
0x83: {  	s4 =	simm.s32 $0x12900  }
0x84: {  	[tilespmem:s4], [sflag:$0x2] =	stream.indirect_vreg.gather [hbm4b:s5+s3], $0x80, v3, vm0, $0xb8;
	[tilespmem:$0x1E100] =	vst v63  }
0x85: {  	s4 =	simm.s32 $0x13100  }
0x86: {  	[tilespmem:s4], [sflag:$0x2] =	stream.indirect_vreg.gather [hbm4b:s6+s3], $0x80, v3, vm0, $0xb8;
	[tilespmem:$0x1E100] =	vst v63  }
0x87: {  	s4 =	simm.s32 $0x13900  }
0x88: {  	[tilespmem:s4], [sflag:$0x2] =	stream.indirect_vreg.gather [hbm4b:s7+s3], $0x80, v3, vm0, $0xb8;
	[tilespmem:$0x1E100] =	vst v63  }
0x89: {  	v3 =	vld [tilespmem:$0x50];
	_ =	sdelay $0x4  }
0x8a: {  	v52 =	vshll.u32 v3, $0x3  }
0x8b: {  	v3 =	vand.u32 $0x7, v3;
	v4 =	vand.u32 $0xFFFFFFC0, v52  }
0x8c: {  	v3 =	vor.u32 v3, v4  }
0x8d: {  	v4 =	vperm.xlane v3, v0;
	_ =	sdelay $0x1  }
0x8e: {  	v4 =	vadd.s32 v1, v4;
	_ =	sdelay $0x3  }
0x8f: {  	s4 =	simm.s32 $0x14100  }
0x90: {  	[tilespmem:s4], [sflag:$0x2] =	stream.indirect_vreg.gather [hbm4b:s2+s3], $0x80, v4, vm0, $0xb8;
	[tilespmem:$0x1E100] =	vst v63  }
0x91: {  	v3 =	vperm.xlane v3, v2;
	s4 =	simm.s32 $0x14900  }
0x92: {  	[tilespmem:s4], [sflag:$0x2] =	stream.indirect_vreg.gather [hbm4b:s5+s3], $0x80, v4, vm0, $0xb8;
	[tilespmem:$0x1E100] =	vst v63  }
0x93: {  	v3 =	vadd.s32 v1, v3;
	s4 =	simm.s32 $0x15100  }
0x94: {  	[tilespmem:s4], [sflag:$0x2] =	stream.indirect_vreg.gather [hbm4b:s6+s3], $0x80, v4, vm0, $0xb8;
	[tilespmem:$0x1E100] =	vst v63  }
0x95: {  	s4 =	simm.s32 $0x15900  }
0x96: {  	[tilespmem:s4], [sflag:$0x2] =	stream.indirect_vreg.gather [hbm4b:s7+s3], $0x80, v4, vm0, $0xb8;
	[tilespmem:$0x1E100] =	vst v63  }
0x97: {  	s4 =	simm.s32 $0x16100  }
0x98: {  	[tilespmem:s4], [sflag:$0x2] =	stream.indirect_vreg.gather [hbm4b:s2+s3], $0x80, v3, vm0, $0xb8;
	[tilespmem:$0x1E100] =	vst v63  }
0x99: {  	s4 =	simm.s32 $0x16900  }
0x9a: {  	[tilespmem:s4], [sflag:$0x2] =	stream.indirect_vreg.gather [hbm4b:s5+s3], $0x80, v3, vm0, $0xb8;
	[tilespmem:$0x1E100] =	vst v63  }
0x9b: {  	s4 =	simm.s32 $0x17100  }
0x9c: {  	[tilespmem:s4], [sflag:$0x2] =	stream.indirect_vreg.gather [hbm4b:s6+s3], $0x80, v3, vm0, $0xb8;
	[tilespmem:$0x1E100] =	vst v63  }
0x9d: {  	s4 =	simm.s32 $0x17900  }
0x9e: {  	[tilespmem:s4], [sflag:$0x2] =	stream.indirect_vreg.gather [hbm4b:s7+s3], $0x80, v3, vm0, $0xb8;
	[tilespmem:$0x1E100] =	vst v63  }
0x9f: {  	v3 =	vld [tilespmem:$0x60];
	_ =	sdelay $0x4  }
0xa0: {  	v53 =	vshll.u32 v3, $0x3  }
0xa1: {  	v3 =	vand.u32 $0x7, v3;
	v4 =	vand.u32 $0xFFFFFFC0, v53  }
0xa2: {  	v3 =	vor.u32 v3, v4  }
0xa3: {  	v4 =	vperm.xlane v3, v0;
	_ =	sdelay $0x1  }
0xa4: {  	v4 =	vadd.s32 v1, v4;
	_ =	sdelay $0x3  }
0xa5: {  	s4 =	simm.s32 $0x18100  }
0xa6: {  	[tilespmem:s4], [sflag:$0x2] =	stream.indirect_vreg.gather [hbm4b:s2+s3], $0x80, v4, vm0, $0xb8;
	[tilespmem:$0x1E100] =	vst v63  }
0xa7: {  	v3 =	vperm.xlane v3, v2;
	s4 =	simm.s32 $0x18900  }
0xa8: {  	[tilespmem:s4], [sflag:$0x2] =	stream.indirect_vreg.gather [hbm4b:s5+s3], $0x80, v4, vm0, $0xb8;
	[tilespmem:$0x1E100] =	vst v63  }
0xa9: {  	v3 =	vadd.s32 v1, v3;
	s4 =	simm.s32 $0x19100  }
0xaa: {  	[tilespmem:s4], [sflag:$0x2] =	stream.indirect_vreg.gather [hbm4b:s6+s3], $0x80, v4, vm0, $0xb8;
	[tilespmem:$0x1E100] =	vst v63  }
0xab: {  	s4 =	simm.s32 $0x19900  }
0xac: {  	[tilespmem:s4], [sflag:$0x2] =	stream.indirect_vreg.gather [hbm4b:s7+s3], $0x80, v4, vm0, $0xb8;
	[tilespmem:$0x1E100] =	vst v63  }
0xad: {  	s4 =	simm.s32 $0x1A100  }
0xae: {  	[tilespmem:s4], [sflag:$0x2] =	stream.indirect_vreg.gather [hbm4b:s2+s3], $0x80, v3, vm0, $0xb8;
	[tilespmem:$0x1E100] =	vst v63  }
0xaf: {  	s4 =	simm.s32 $0x1A900  }
0xb0: {  	[tilespmem:s4], [sflag:$0x2] =	stream.indirect_vreg.gather [hbm4b:s5+s3], $0x80, v3, vm0, $0xb8;
	[tilespmem:$0x1E100] =	vst v63  }
0xb1: {  	s4 =	simm.s32 $0x1B100  }
0xb2: {  	[tilespmem:s4], [sflag:$0x2] =	stream.indirect_vreg.gather [hbm4b:s6+s3], $0x80, v3, vm0, $0xb8;
	[tilespmem:$0x1E100] =	vst v63  }
0xb3: {  	s4 =	simm.s32 $0x1B900  }
0xb4: {  	[tilespmem:s4], [sflag:$0x2] =	stream.indirect_vreg.gather [hbm4b:s7+s3], $0x80, v3, vm0, $0xb8;
	[tilespmem:$0x1E100] =	vst v63  }
0xb5: {  	v3 =	vld.msk [tilespmem:$0x70], $0xff;
	_ =	sdelay $0x4  }
0xb6: {  	v54 =	vshll.u32 v3, $0x3  }
0xb7: {  	v3 =	vand.u32 $0x7, v3;
	v4 =	vand.u32 $0xFFFFFFC0, v54  }
0xb8: {  	v3 =	vor.u32 v3, v4  }
0xb9: {  	v3 =	vperm.xlane v3, v0;
	_ =	sdelay $0x1  }
0xba: {  	v3 =	vadd.s32 v1, v3;
	_ =	sdelay $0x3  }
0xbb: {  	s4 =	simm.s32 $0x1C100  }
0xbc: {  	[tilespmem:s4], [sflag:$0x2] =	stream.indirect_vreg.gather [hbm4b:s2+s3], $0x80, v3, vm0, $0xb8;
	[tilespmem:$0x1E100] =	vst v63  }
0xbd: {  	s4 =	simm.s32 $0x1C900  }
0xbe: {  	[tilespmem:s4], [sflag:$0x2] =	stream.indirect_vreg.gather [hbm4b:s5+s3], $0x80, v3, vm0, $0xb8;
	[tilespmem:$0x1E100] =	vst v63  }
0xbf: {  	s4 =	simm.s32 $0x1D100  }
0xc0: {  	[tilespmem:s4], [sflag:$0x2] =	stream.indirect_vreg.gather [hbm4b:s6+s3], $0x80, v3, vm0, $0xb8;
	[tilespmem:$0x1E100] =	vst v63  }
0xc1: {  	s4 =	simm.s32 $0x1D900  }
0xc2: {  	[tilespmem:s4], [sflag:$0x2] =	stream.indirect_vreg.gather [hbm4b:s7+s3], $0x80, v3, vm0, $0xb8;
	[tilespmem:$0x1E100] =	vst v63  }
0xc3: {  	_ =	swait.ge [sflag:s25], $0x10000  }
0xc4: {  	[sflag:s25] =	ssyncset.done $0x0  }
0xc5: {  	s4 =	rddreg [dreg:$0xb];
	[sflag:s25] =	ssyncadd.s32 $0xFFFF0000  }
0xc6: {  	[hbm4b:s4+s3] =	stream.linear.scatter [tilespmem:s26], [sflag:$0x3], $0x10000, $0x38;
	[tilespmem:$0x1E100] =	vst v63  }
0xc7: {  	_ =	swait.ge [sflag:s9], $0x10000  }
0xc8: {  	[sflag:s9] =	ssyncset.done $0x0  }
0xc9: {  	[sflag:s9] =	ssyncadd.s32 $0xFFFF0000  }
0xca: {  	v3 =	vld [tilespmem:$0x78];
	_ =	sdelay $0x4  }
0xcb: {  	v55 =	vshll.u32 v3, $0x3  }
0xcc: {  	v3 =	vand.u32 $0x7, v3;
	v4 =	vand.u32 $0xFFFFFFC0, v55  }
0xcd: {  	v3 =	vor.u32 v3, v4  }
0xce: {  	v4 =	vperm.xlane v3, v0;
	_ =	sdelay $0x1  }
0xcf: {  	v4 =	vadd.s32 v1, v4;
	_ =	sdelay $0x4  }
0xd0: {  	[tilespmem:s26], [sflag:$0x1] =	stream.indirect_vreg.gather [hbm4b:s2+s3], $0x80, v4, vm0, $0xb8;
	[tilespmem:$0x1E100] =	vst v63  }
0xd1: {  	s4 =	simm.s32 $0x900;
	v3 =	vperm.xlane v3, v2  }
0xd2: {  	[tilespmem:s4], [sflag:$0x1] =	stream.indirect_vreg.gather [hbm4b:s5+s3], $0x80, v4, vm0, $0xb8;
	[tilespmem:$0x1E100] =	vst v63  }
0xd3: {  	v3 =	vadd.s32 v1, v3;
	s4 =	simm.s32 $0x1100  }
0xd4: {  	[tilespmem:s4], [sflag:$0x1] =	stream.indirect_vreg.gather [hbm4b:s6+s3], $0x80, v4, vm0, $0xb8;
	[tilespmem:$0x1E100] =	vst v63  }
0xd5: {  	s4 =	simm.s32 $0x1900  }
0xd6: {  	[tilespmem:s4], [sflag:$0x1] =	stream.indirect_vreg.gather [hbm4b:s7+s3], $0x80, v4, vm0, $0xb8;
	[tilespmem:$0x1E100] =	vst v63  }
0xd7: {  	s4 =	simm.s32 $0x2100  }
0xd8: {  	[tilespmem:s4], [sflag:$0x1] =	stream.indirect_vreg.gather [hbm4b:s2+s3], $0x80, v3, vm0, $0xb8;
	[tilespmem:$0x1E100] =	vst v63  }
0xd9: {  	s4 =	simm.s32 $0x2900  }
0xda: {  	[tilespmem:s4], [sflag:$0x1] =	stream.indirect_vreg.gather [hbm4b:s5+s3], $0x80, v3, vm0, $0xb8;
	[tilespmem:$0x1E100] =	vst v63  }
0xdb: {  	s4 =	simm.s32 $0x3100  }
0xdc: {  	[tilespmem:s4], [sflag:$0x1] =	stream.indirect_vreg.gather [hbm4b:s6+s3], $0x80, v3, vm0, $0xb8;
	[tilespmem:$0x1E100] =	vst v63  }
0xdd: {  	s4 =	simm.s32 $0x3900  }
0xde: {  	[tilespmem:s4], [sflag:$0x1] =	stream.indirect_vreg.gather [hbm4b:s7+s3], $0x80, v3, vm0, $0xb8;
	[tilespmem:$0x1E100] =	vst v63  }
0xdf: {  	v3 =	vld [tilespmem:$0x88];
	_ =	sdelay $0x4  }
0xe0: {  	v56 =	vshll.u32 v3, $0x3  }
0xe1: {  	v3 =	vand.u32 $0x7, v3;
	v4 =	vand.u32 $0xFFFFFFC0, v56  }
0xe2: {  	v3 =	vor.u32 v3, v4  }
0xe3: {  	v4 =	vperm.xlane v3, v0;
	_ =	sdelay $0x1  }
0xe4: {  	v4 =	vadd.s32 v1, v4;
	_ =	sdelay $0x4  }
0xe5: {  	[tilespmem:s29], [sflag:$0x1] =	stream.indirect_vreg.gather [hbm4b:s2+s3], $0x80, v4, vm0, $0xb8;
	[tilespmem:$0x1E100] =	vst v63  }
0xe6: {  	v3 =	vperm.xlane v3, v2  }
0xe7: {  	[tilespmem:s30], [sflag:$0x1] =	stream.indirect_vreg.gather [hbm4b:s5+s3], $0x80, v4, vm0, $0xb8;
	[tilespmem:$0x1E100] =	vst v63  }
0xe8: {  	v3 =	vadd.s32 v1, v3  }
0xe9: {  	[tilespmem:s31], [sflag:$0x1] =	stream.indirect_vreg.gather [hbm4b:s6+s3], $0x80, v4, vm0, $0xb8;
	[tilespmem:$0x1E100] =	vst v63  }
0xea: {  	s30 =	simm.s32 $0x5900  }
0xeb: {  	[tilespmem:s30], [sflag:$0x1] =	stream.indirect_vreg.gather [hbm4b:s7+s3], $0x80, v4, vm0, $0xb8;
	[tilespmem:$0x1E100] =	vst v63  }
0xec: {  	_ = 	snop  }
0xed: {  	[tilespmem:s1], [sflag:$0x1] =	stream.indirect_vreg.gather [hbm4b:s2+s3], $0x80, v3, vm0, $0xb8;
	[tilespmem:$0x1E100] =	vst v63  }
0xee: {  	_ = 	snop  }
0xef: {  	[tilespmem:s18], [sflag:$0x1] =	stream.indirect_vreg.gather [hbm4b:s5+s3], $0x80, v3, vm0, $0xb8;
	[tilespmem:$0x1E100] =	vst v63  }
0xf0: {  	_ = 	snop  }
0xf1: {  	[tilespmem:s19], [sflag:$0x1] =	stream.indirect_vreg.gather [hbm4b:s6+s3], $0x80, v3, vm0, $0xb8;
	[tilespmem:$0x1E100] =	vst v63  }
0xf2: {  	_ = 	snop  }
0xf3: {  	[tilespmem:s20], [sflag:$0x1] =	stream.indirect_vreg.gather [hbm4b:s7+s3], $0x80, v3, vm0, $0xb8;
	[tilespmem:$0x1E100] =	vst v63  }
0xf4: {  	v3 =	vld [tilespmem:$0x98];
	_ =	sdelay $0x4  }
0xf5: {  	v57 =	vshll.u32 v3, $0x3  }
0xf6: {  	v3 =	vand.u32 $0x7, v3;
	v4 =	vand.u32 $0xFFFFFFC0, v57  }
0xf7: {  	v3 =	vor.u32 v3, v4  }
0xf8: {  	v4 =	vperm.xlane v3, v0;
	_ =	sdelay $0x1  }
0xf9: {  	v4 =	vadd.s32 v1, v4;
	_ =	sdelay $0x4  }
0xfa: {  	[tilespmem:s21], [sflag:$0x1] =	stream.indirect_vreg.gather [hbm4b:s2+s3], $0x80, v4, vm0, $0xb8;
	[tilespmem:$0x1E100] =	vst v63  }
0xfb: {  	v3 =	vperm.xlane v3, v2  }
0xfc: {  	[tilespmem:s22], [sflag:$0x1] =	stream.indirect_vreg.gather [hbm4b:s5+s3], $0x80, v4, vm0, $0xb8;
	[tilespmem:$0x1E100] =	vst v63  }
0xfd: {  	v3 =	vadd.s32 v1, v3  }
0xfe: {  	[tilespmem:s23], [sflag:$0x1] =	stream.indirect_vreg.gather [hbm4b:s6+s3], $0x80, v4, vm0, $0xb8;
	[tilespmem:$0x1E100] =	vst v63  }
0xff: {  	_ = 	snop  }
0x100: {  	[tilespmem:s24], [sflag:$0x1] =	stream.indirect_vreg.gather [hbm4b:s7+s3], $0x80, v4, vm0, $0xb8;
	[tilespmem:$0x1E100] =	vst v63  }
0x101: {  	_ = 	snop  }
0x102: {  	[tilespmem:s11], [sflag:$0x1] =	stream.indirect_vreg.gather [hbm4b:s2+s3], $0x80, v3, vm0, $0xb8;
	[tilespmem:$0x1E100] =	vst v63  }
0x103: {  	_ = 	snop  }
0x104: {  	[tilespmem:s10], [sflag:$0x1] =	stream.indirect_vreg.gather [hbm4b:s5+s3], $0x80, v3, vm0, $0xb8;
	[tilespmem:$0x1E100] =	vst v63  }
0x105: {  	_ = 	snop  }
0x106: {  	[tilespmem:s12], [sflag:$0x1] =	stream.indirect_vreg.gather [hbm4b:s6+s3], $0x80, v3, vm0, $0xb8;
	[tilespmem:$0x1E100] =	vst v63  }
0x107: {  	_ = 	snop  }
0x108: {  	[tilespmem:s13], [sflag:$0x1] =	stream.indirect_vreg.gather [hbm4b:s7+s3], $0x80, v3, vm0, $0xb8;
	[tilespmem:$0x1E100] =	vst v63  }
0x109: {  	v3 =	vld [tilespmem:$0xA8];
	_ =	sdelay $0x4  }
0x10a: {  	v58 =	vshll.u32 v3, $0x3  }
0x10b: {  	v3 =	vand.u32 $0x7, v3;
	v4 =	vand.u32 $0xFFFFFFC0, v58  }
0x10c: {  	v3 =	vor.u32 v3, v4  }
0x10d: {  	v4 =	vperm.xlane v3, v0;
	_ =	sdelay $0x1  }
0x10e: {  	v4 =	vadd.s32 v1, v4;
	_ =	sdelay $0x4  }
0x10f: {  	[tilespmem:s14], [sflag:$0x1] =	stream.indirect_vreg.gather [hbm4b:s2+s3], $0x80, v4, vm0, $0xb8;
	[tilespmem:$0x1E100] =	vst v63  }
0x110: {  	v3 =	vperm.xlane v3, v2  }
0x111: {  	[tilespmem:s15], [sflag:$0x1] =	stream.indirect_vreg.gather [hbm4b:s5+s3], $0x80, v4, vm0, $0xb8;
	[tilespmem:$0x1E100] =	vst v63  }
0x112: {  	v3 =	vadd.s32 v1, v3  }
0x113: {  	[tilespmem:s16], [sflag:$0x1] =	stream.indirect_vreg.gather [hbm4b:s6+s3], $0x80, v4, vm0, $0xb8;
	[tilespmem:$0x1E100] =	vst v63  }
0x114: {  	_ = 	snop  }
0x115: {  	[tilespmem:s17], [sflag:$0x1] =	stream.indirect_vreg.gather [hbm4b:s7+s3], $0x80, v4, vm0, $0xb8;
	[tilespmem:$0x1E100] =	vst v63  }
0x116: {  	_ = 	snop  }
0x117: {  	[tilespmem:s28], [sflag:$0x1] =	stream.indirect_vreg.gather [hbm4b:s2+s3], $0x80, v3, vm0, $0xb8;
	[tilespmem:$0x1E100] =	vst v63  }
0x118: {  	s29 =	simm.s32 $0xE900  }
0x119: {  	[tilespmem:s29], [sflag:$0x1] =	stream.indirect_vreg.gather [hbm4b:s5+s3], $0x80, v3, vm0, $0xb8;
	[tilespmem:$0x1E100] =	vst v63  }
0x11a: {  	s30 =	simm.s32 $0xF100  }
0x11b: {  	[tilespmem:s30], [sflag:$0x1] =	stream.indirect_vreg.gather [hbm4b:s6+s3], $0x80, v3, vm0, $0xb8;
	[tilespmem:$0x1E100] =	vst v63  }
0x11c: {  	s4 =	simm.s32 $0xF900;
	s1 =	simm.s32 $0x2  }
0x11d: {  	[tilespmem:s4], [sflag:$0x1] =	stream.indirect_vreg.gather [hbm4b:s7+s3], $0x80, v3, vm0, $0xb8;
	[tilespmem:$0x1E100] =	vst v63  }
0x11e: {  	_ =	swait.ge [sflag:s1], $0xE000  }
0x11f: {  	[sflag:s1] =	ssyncset.done $0x0  }
0x120: {  	s29 =	rddreg [dreg:$0x5];
	[sflag:s1] =	ssyncadd.s32 $0xFFFF2000  }
0x121: {  	[hbm4b:s29+s3] =	stream.linear.scatter [tilespmem:s0], [sflag:$0x3], $0xE000, $0x38;
	[tilespmem:$0x1E100] =	vst v63  }
0x122: {  	_ =	swait.ge [sflag:s9], $0xE000  }
0x123: {  	[sflag:s9] =	ssyncset.done $0x0  }
0x124: {  	[sflag:s9] =	ssyncadd.s32 $0xFFFF2000  }
0x125: {  	v3 =	vld [tilespmem:$0xB8];
	_ =	sdelay $0x4  }
0x126: {  	v59 =	vshll.u32 v3, $0x3  }
0x127: {  	v3 =	vand.u32 $0x7, v3;
	v4 =	vand.u32 $0xFFFFFFC0, v59  }
0x128: {  	v3 =	vor.u32 v3, v4  }
0x129: {  	v4 =	vperm.xlane v3, v0;
	_ =	sdelay $0x1  }
0x12a: {  	v4 =	vadd.s32 v1, v4;
	_ =	sdelay $0x4  }
0x12b: {  	[tilespmem:s0], [sflag:$0x2] =	stream.indirect_vreg.gather [hbm4b:s2+s3], $0x80, v4, vm0, $0xb8;
	[tilespmem:$0x1E100] =	vst v63  }
0x12c: {  	s30 =	simm.s32 $0x10900;
	v3 =	vperm.xlane v3, v2  }
0x12d: {  	[tilespmem:s30], [sflag:$0x2] =	stream.indirect_vreg.gather [hbm4b:s5+s3], $0x80, v4, vm0, $0xb8;
	[tilespmem:$0x1E100] =	vst v63  }
0x12e: {  	s29 =	simm.s32 $0x11100;
	v3 =	vadd.s32 v1, v3  }
0x12f: {  	[tilespmem:s29], [sflag:$0x2] =	stream.indirect_vreg.gather [hbm4b:s6+s3], $0x80, v4, vm0, $0xb8;
	[tilespmem:$0x1E100] =	vst v63  }
0x130: {  	s30 =	simm.s32 $0x11900  }
0x131: {  	[tilespmem:s30], [sflag:$0x2] =	stream.indirect_vreg.gather [hbm4b:s7+s3], $0x80, v4, vm0, $0xb8;
	[tilespmem:$0x1E100] =	vst v63  }
0x132: {  	s29 =	simm.s32 $0x12100  }
0x133: {  	[tilespmem:s29], [sflag:$0x2] =	stream.indirect_vreg.gather [hbm4b:s2+s3], $0x80, v3, vm0, $0xb8;
	[tilespmem:$0x1E100] =	vst v63  }
0x134: {  	s30 =	simm.s32 $0x12900  }
0x135: {  	[tilespmem:s30], [sflag:$0x2] =	stream.indirect_vreg.gather [hbm4b:s5+s3], $0x80, v3, vm0, $0xb8;
	[tilespmem:$0x1E100] =	vst v63  }
0x136: {  	s29 =	simm.s32 $0x13100  }
0x137: {  	[tilespmem:s29], [sflag:$0x2] =	stream.indirect_vreg.gather [hbm4b:s6+s3], $0x80, v3, vm0, $0xb8;
	[tilespmem:$0x1E100] =	vst v63  }
0x138: {  	s30 =	simm.s32 $0x13900  }
0x139: {  	[tilespmem:s30], [sflag:$0x2] =	stream.indirect_vreg.gather [hbm4b:s7+s3], $0x80, v3, vm0, $0xb8;
	[tilespmem:$0x1E100] =	vst v63  }
0x13a: {  	v3 =	vld [tilespmem:$0xC8];
	_ =	sdelay $0x4  }
0x13b: {  	v60 =	vshll.u32 v3, $0x3  }
0x13c: {  	v3 =	vand.u32 $0x7, v3;
	v4 =	vand.u32 $0xFFFFFFC0, v60  }
0x13d: {  	v3 =	vor.u32 v3, v4  }
0x13e: {  	v4 =	vperm.xlane v3, v0;
	_ =	sdelay $0x1  }
0x13f: {  	v4 =	vadd.s32 v1, v4;
	_ =	sdelay $0x3  }
0x140: {  	s29 =	simm.s32 $0x14100  }
0x141: {  	[tilespmem:s29], [sflag:$0x2] =	stream.indirect_vreg.gather [hbm4b:s2+s3], $0x80, v4, vm0, $0xb8;
	[tilespmem:$0x1E100] =	vst v63  }
0x142: {  	s30 =	simm.s32 $0x14900;
	v3 =	vperm.xlane v3, v2  }
0x143: {  	[tilespmem:s30], [sflag:$0x2] =	stream.indirect_vreg.gather [hbm4b:s5+s3], $0x80, v4, vm0, $0xb8;
	[tilespmem:$0x1E100] =	vst v63  }
0x144: {  	v3 =	vadd.s32 v1, v3;
	s29 =	simm.s32 $0x15100  }
0x145: {  	[tilespmem:s29], [sflag:$0x2] =	stream.indirect_vreg.gather [hbm4b:s6+s3], $0x80, v4, vm0, $0xb8;
	[tilespmem:$0x1E100] =	vst v63  }
0x146: {  	s30 =	simm.s32 $0x15900  }
0x147: {  	[tilespmem:s30], [sflag:$0x2] =	stream.indirect_vreg.gather [hbm4b:s7+s3], $0x80, v4, vm0, $0xb8;
	[tilespmem:$0x1E100] =	vst v63  }
0x148: {  	s29 =	simm.s32 $0x16100  }
0x149: {  	[tilespmem:s29], [sflag:$0x2] =	stream.indirect_vreg.gather [hbm4b:s2+s3], $0x80, v3, vm0, $0xb8;
	[tilespmem:$0x1E100] =	vst v63  }
0x14a: {  	s30 =	simm.s32 $0x16900  }
0x14b: {  	[tilespmem:s30], [sflag:$0x2] =	stream.indirect_vreg.gather [hbm4b:s5+s3], $0x80, v3, vm0, $0xb8;
	[tilespmem:$0x1E100] =	vst v63  }
0x14c: {  	s29 =	simm.s32 $0x17100  }
0x14d: {  	[tilespmem:s29], [sflag:$0x2] =	stream.indirect_vreg.gather [hbm4b:s6+s3], $0x80, v3, vm0, $0xb8;
	[tilespmem:$0x1E100] =	vst v63  }
0x14e: {  	s30 =	simm.s32 $0x17900  }
0x14f: {  	[tilespmem:s30], [sflag:$0x2] =	stream.indirect_vreg.gather [hbm4b:s7+s3], $0x80, v3, vm0, $0xb8;
	[tilespmem:$0x1E100] =	vst v63  }
0x150: {  	v3 =	vld [tilespmem:$0xD8];
	_ =	sdelay $0x4  }
0x151: {  	v61 =	vshll.u32 v3, $0x3  }
0x152: {  	v3 =	vand.u32 $0x7, v3;
	v4 =	vand.u32 $0xFFFFFFC0, v61  }
0x153: {  	v3 =	vor.u32 v3, v4  }
0x154: {  	v4 =	vperm.xlane v3, v0;
	_ =	sdelay $0x1  }
0x155: {  	v4 =	vadd.s32 v1, v4;
	_ =	sdelay $0x3  }
0x156: {  	s29 =	simm.s32 $0x18100  }
0x157: {  	[tilespmem:s29], [sflag:$0x2] =	stream.indirect_vreg.gather [hbm4b:s2+s3], $0x80, v4, vm0, $0xb8;
	[tilespmem:$0x1E100] =	vst v63  }
0x158: {  	s30 =	simm.s32 $0x18900;
	v3 =	vperm.xlane v3, v2  }
0x159: {  	[tilespmem:s30], [sflag:$0x2] =	stream.indirect_vreg.gather [hbm4b:s5+s3], $0x80, v4, vm0, $0xb8;
	[tilespmem:$0x1E100] =	vst v63  }
0x15a: {  	v3 =	vadd.s32 v1, v3;
	s29 =	simm.s32 $0x19100  }
0x15b: {  	[tilespmem:s29], [sflag:$0x2] =	stream.indirect_vreg.gather [hbm4b:s6+s3], $0x80, v4, vm0, $0xb8;
	[tilespmem:$0x1E100] =	vst v63  }
0x15c: {  	s30 =	simm.s32 $0x19900  }
0x15d: {  	[tilespmem:s30], [sflag:$0x2] =	stream.indirect_vreg.gather [hbm4b:s7+s3], $0x80, v4, vm0, $0xb8;
	[tilespmem:$0x1E100] =	vst v63  }
0x15e: {  	s29 =	simm.s32 $0x1A100  }
0x15f: {  	[tilespmem:s29], [sflag:$0x2] =	stream.indirect_vreg.gather [hbm4b:s2+s3], $0x80, v3, vm0, $0xb8;
	[tilespmem:$0x1E100] =	vst v63  }
0x160: {  	s30 =	simm.s32 $0x1A900  }
0x161: {  	[tilespmem:s30], [sflag:$0x2] =	stream.indirect_vreg.gather [hbm4b:s5+s3], $0x80, v3, vm0, $0xb8;
	[tilespmem:$0x1E100] =	vst v63  }
0x162: {  	s29 =	simm.s32 $0x1B100  }
0x163: {  	[tilespmem:s29], [sflag:$0x2] =	stream.indirect_vreg.gather [hbm4b:s6+s3], $0x80, v3, vm0, $0xb8;
	[tilespmem:$0x1E100] =	vst v63  }
0x164: {  	s30 =	simm.s32 $0x1B900  }
0x165: {  	[tilespmem:s30], [sflag:$0x2] =	stream.indirect_vreg.gather [hbm4b:s7+s3], $0x80, v3, vm0, $0xb8;
	[tilespmem:$0x1E100] =	vst v63  }
0x166: {  	v3 =	vld.msk [tilespmem:$0xE8], $0xff;
	_ =	sdelay $0x4  }
0x167: {  	v62 =	vshll.u32 v3, $0x3  }
0x168: {  	v3 =	vand.u32 $0x7, v3;
	v4 =	vand.u32 $0xFFFFFFC0, v62  }
0x169: {  	v3 =	vor.u32 v3, v4  }
0x16a: {  	v3 =	vperm.xlane v3, v0;
	_ =	sdelay $0x1  }
0x16b: {  	v3 =	vadd.s32 v1, v3;
	_ =	sdelay $0x3  }
0x16c: {  	s29 =	simm.s32 $0x1C100  }
0x16d: {  	[tilespmem:s29], [sflag:$0x2] =	stream.indirect_vreg.gather [hbm4b:s2+s3], $0x80, v3, vm0, $0xb8;
	[tilespmem:$0x1E100] =	vst v63  }
0x16e: {  	s30 =	simm.s32 $0x1C900  }
0x16f: {  	[tilespmem:s30], [sflag:$0x2] =	stream.indirect_vreg.gather [hbm4b:s5+s3], $0x80, v3, vm0, $0xb8;
	[tilespmem:$0x1E100] =	vst v63  }
0x170: {  	s29 =	simm.s32 $0x1D100  }
0x171: {  	[tilespmem:s29], [sflag:$0x2] =	stream.indirect_vreg.gather [hbm4b:s6+s3], $0x80, v3, vm0, $0xb8;
	[tilespmem:$0x1E100] =	vst v63  }
0x172: {  	s30 =	simm.s32 $0x1D900  }
0x173: {  	[tilespmem:s30], [sflag:$0x2] =	stream.indirect_vreg.gather [hbm4b:s7+s3], $0x80, v3, vm0, $0xb8;
	[tilespmem:$0x1E100] =	vst v63  }
0x174: {  	_ =	swait.ge [sflag:s25], $0x10000  }
0x175: {  	[sflag:s25] =	ssyncset.done $0x0  }
0x176: {  	s29 =	rddreg [dreg:$0x6];
	[sflag:s25] =	ssyncadd.s32 $0xFFFF0000  }
0x177: {  	[hbm4b:s29+s3] =	stream.linear.scatter [tilespmem:s26], [sflag:$0x3], $0x10000, $0x38;
	[tilespmem:$0x1E100] =	vst v63  }
0x178: {  	_ =	swait.ge [sflag:s9], $0x10000  }
0x179: {  	[sflag:s9] =	ssyncset.done $0x0  }
0x17a: {  	[sflag:s9] =	ssyncadd.s32 $0xFFFF0000  }
0x17b: {  	v3 =	vld [tilespmem:$0xF0];
	_ =	sdelay $0x4  }
0x17c: {  	v63 =	vshll.u32 v3, $0x3  }
0x17d: {  	v3 =	vand.u32 $0x7, v3;
	v4 =	vand.u32 $0xFFFFFFC0, v63  }
0x17e: {  	v3 =	vor.u32 v3, v4  }
0x17f: {  	v4 =	vperm.xlane v3, v0;
	_ =	sdelay $0x1  }
0x180: {  	v4 =	vadd.s32 v1, v4;
	_ =	sdelay $0x4  }
0x181: {  	[tilespmem:s26], [sflag:$0x1] =	stream.indirect_vreg.gather [hbm4b:s2+s3], $0x80, v4, vm0, $0xb8;
	[tilespmem:$0x1E100] =	vst v63  }
0x182: {  	s30 =	simm.s32 $0x900;
	v3 =	vperm.xlane v3, v2  }
0x183: {  	[tilespmem:s30], [sflag:$0x1] =	stream.indirect_vreg.gather [hbm4b:s5+s3], $0x80, v4, vm0, $0xb8;
	[tilespmem:$0x1E100] =	vst v63  }
0x184: {  	s29 =	simm.s32 $0x1100;
	v3 =	vadd.s32 v1, v3  }
0x185: {  	[tilespmem:s29], [sflag:$0x1] =	stream.indirect_vreg.gather [hbm4b:s6+s3], $0x80, v4, vm0, $0xb8;
	[tilespmem:$0x1E100] =	vst v63  }
0x186: {  	s30 =	simm.s32 $0x1900  }
0x187: {  	[tilespmem:s30], [sflag:$0x1] =	stream.indirect_vreg.gather [hbm4b:s7+s3], $0x80, v4, vm0, $0xb8;
	[tilespmem:$0x1E100] =	vst v63  }
0x188: {  	s29 =	simm.s32 $0x2100  }
0x189: {  	[tilespmem:s29], [sflag:$0x1] =	stream.indirect_vreg.gather [hbm4b:s2+s3], $0x80, v3, vm0, $0xb8;
	[tilespmem:$0x1E100] =	vst v63  }
0x18a: {  	s30 =	simm.s32 $0x2900  }
0x18b: {  	[tilespmem:s30], [sflag:$0x1] =	stream.indirect_vreg.gather [hbm4b:s5+s3], $0x80, v3, vm0, $0xb8;
	[tilespmem:$0x1E100] =	vst v63  }
0x18c: {  	s29 =	simm.s32 $0x3100  }
0x18d: {  	[tilespmem:s29], [sflag:$0x1] =	stream.indirect_vreg.gather [hbm4b:s6+s3], $0x80, v3, vm0, $0xb8;
	[tilespmem:$0x1E100] =	vst v63  }
0x18e: {  	s30 =	simm.s32 $0x3900  }
0x18f: {  	[tilespmem:s30], [sflag:$0x1] =	stream.indirect_vreg.gather [hbm4b:s7+s3], $0x80, v3, vm0, $0xb8;
	[tilespmem:$0x1E100] =	vst v63  }
0x190: {  	_ =	swait.ge [sflag:s1], $0xE000  }
0x191: {  	[sflag:s1] =	ssyncset.done $0x0  }
0x192: {  	s29 =	rddreg [dreg:$0x7];
	[sflag:s1] =	ssyncadd.s32 $0xFFFF2000  }
0x193: {  	[hbm4b:s29+s3] =	stream.linear.scatter [tilespmem:s0], [sflag:$0x3], $0xE000, $0x38;
	[tilespmem:$0x1E100] =	vst v63  }
0x194: {  	_ =	swait.ge [sflag:s9], $0xE000  }
0x195: {  	[sflag:s9] =	ssyncset.done $0x0  }
0x196: {  	[sflag:s9] =	ssyncadd.s32 $0xFFFF2000  }
0x197: {  	_ =	swait.ge [sflag:s25], $0x4000  }
0x198: {  	p0 =	sne.s32 s8, $0x1;
	[sflag:s25] =	ssyncset.done $0x0  }
.Ltmp0:
0x199: {  	s30 =	rddreg [dreg:$0x8];
	[sflag:s25] =	ssyncadd.s32 $0xFFFFC000;
	(pc) =	sbr.rel @p0 .LBB2_1-.Ltmp0, $4  }
0x19a: {  	[hbm4b:s30+s3] =	stream.linear.scatter [tilespmem:s26], [sflag:$0x3], $0x4000, $0x38;
	[tilespmem:$0x1E100] =	vst v63  }
0x19b: {  	_ =	swait.ge [sflag:s9], $0x4000  }
0x19c: {  	[sflag:s9] =	ssyncset.done $0x0  }
0x19d: {  	s8 =	sadd.s32 $0xFFFFFFFF, s8;
	[sflag:s9] =	ssyncadd.s32 $0xFFFFC000  }
0x19e: {  	_ =	sfence.sel $0x180000  }
0x19f: {  	[bflag:$0x0] =	sbarrier.arrive $0xFFFF  }
0x1a0: {  	_ =	strace $0x90000047  }
0x1a1: {  	s0 =	stileid.u32;
	[bflag:$0x2] =	sbarrier.arrive $0xFFFF  }
0x1a2: {  	p0 =	sne.s32 s0, $0x0;
	s0 =	rddreg [dreg:$0x3]  }
0x1a3: {  	s0 =	sadd.s32 @!p0 $0x100000, s0  }
0x1a4: {  	[sflag:s0] =	ssyncadd.tile.s32 @!p0 $0x1;
	_ =	shalt  }
.Lfunc_end2:
_tile_overlayer_lowered:
.L_overlay_start_2:
0x1a5: {  	(tag) =	ssettag $0x2  }
0x1a6: {  	s0 =	rddreg [dreg:$0x0];
	s2 =	stileid.u32  }
0x1a7: {  	s1 =	rddreg [dreg:$0x1];
	p0 =	sne.s32 s2, $0x0  }
0x1a8: {  	s3 =	rddreg [dreg:$0x2];
	[bflag:$0x3] =	sbarrier.arrive $0xFFFF;
	s2 =	simm.s32 @!p0 $0x1C03  }
0x1a9: {  	[timem:s3], [sflag:s2] =	dma.local @!p0 [hbm:s0], s1  }
0x1aa: {  	s0 =	simm.s32 @!p0 $0x3  }
0x1ab: {  	_ =	swait.ge @!p0 [sflag:s0], s1  }
0x1ac: {  	s1 =	ssub.s32 @!p0 $0x0, s1;
	[sflag:s0] =	ssyncset.done @!p0 $0x0  }
0x1ad: {  	[sflag:s0] =	ssyncadd.s32 @!p0 s1  }
0x1ae: {  	[bflag:$0x3] =	sbarrier.arrive $0xFFFF  }
0x1af: {  	_ =	shalt  }

</sc_bundles>
